<compile_context>
chip_gen: v7x
topology: tpu7x:2x2x1
jax: 0.10.2.dev20260603
libtpu: 0.0.44.dev20260713+nightly
codegen_flags: <defaults>
</compile_context>

<pallas_src>
import functools

import jax
import jax.numpy as jnp
from jax import lax
from jax.experimental import pallas as pl
from jax.experimental.pallas import tpu as pltpu
from jax.experimental.pallas import tpu_sc as plsc

D_MODEL = 64
SCALE = 8.0
NW = 32
L = 16
XROWS = 4
SPLITS = ((0, 104), (104, 96))
RC = XROWS * 200


def _build(b0, b1):
    rows_per_w = b0 // NW
    n_chunks = rows_per_w // XROWS
    mesh = plsc.VectorSubcoreMesh(core_axis_name="c", subcore_axis_name="s")

    @functools.partial(
        pl.kernel,
        mesh=mesh,
        compiler_params=pltpu.CompilerParams(use_tc_tiling_on_sc=False),
        out_type=jax.ShapeDtypeStruct((b0, b1, D_MODEL), jnp.float32),
        scratch_types=[
            pltpu.VMEM((rows_per_w, b1), jnp.int32),
            pltpu.VMEM((2, RC, D_MODEL), jnp.float32),
            pltpu.SemaphoreType.DMA,
            pltpu.SemaphoreType.DMA,
            pltpu.SemaphoreType.DMA,
        ],
    )
    def emb_kernel(x_hbm, lut_hbm, out_hbm, idx_v, bufs, gsem0, gsem1, osem):
        wid = lax.axis_index("s") * 2 + lax.axis_index("c")
        row0 = wid * rows_per_w
        gsems = (gsem0, gsem1)
        pltpu.sync_copy(x_hbm.at[pl.ds(row0, rows_per_w)], idx_v)

        def fire_gathers(s, b):
            for r in range(XROWS):
                for off, sz in SPLITS:
                    pltpu.async_copy(
                        lut_hbm.at[idx_v.at[s * XROWS + r, pl.ds(off, sz)]],
                        bufs.at[b, pl.ds(r * 200 + off, sz)],
                        gsems[b],
                    )

        def drain_gathers(b):
            pltpu.make_async_copy(
                lut_hbm.at[pl.ds(0, RC)], bufs.at[b], gsems[b]
            ).wait()

        def fire_writes(s, b):
            for r in range(XROWS):
                pltpu.async_copy(
                    bufs.at[b, pl.ds(r * 200, 200)],
                    out_hbm.at[row0 + s * XROWS + r],
                    osem,
                )

        def drain_writes():
            pltpu.make_async_copy(lut_hbm.at[pl.ds(0, RC)], bufs.at[0], osem).wait()

        def scale(b):
            def body(i, c):
                r = i * 4
                for dr in range(4):
                    for cc in range(D_MODEL // L):
                        sl = pl.ds(cc * L, L)
                        bufs[b, r + dr, sl] = bufs[b, r + dr, sl] * SCALE
                return c

            lax.fori_loop(0, RC // 4, body, 0)

        fire_gathers(0, 0)
        n_pairs = n_chunks // 2

        def pair_body(t, carry):
            s0 = 2 * t

            @pl.when(t > 0)
            def _():
                drain_writes()

            fire_gathers(s0 + 1, 1)
            drain_gathers(0)
            scale(0)
            fire_writes(s0, 0)

            @pl.when(t < n_pairs - 1)
            def _():
                drain_writes()
                fire_gathers(s0 + 2, 0)

            drain_gathers(1)
            scale(1)
            fire_writes(s0 + 1, 1)
            return carry

        lax.fori_loop(0, n_pairs, pair_body, 0)
        drain_writes()
        drain_writes()

    return emb_kernel


def kernel(x, lut):
    b0, b1 = x.shape
    out = _build(b0, b1)(x.astype(jnp.int32), lut)
    return out

# --- scband reference (transcript-rebuilt; emitter-appended) ---
"""Pipeline reference for scband-embeddings-37125697307153 (READ-ONLY COPY).

The authoritative reference and input builder live on the scoring server;
editing this copy changes nothing except your own understanding.
"""

import jax, jax.numpy as jnp
import numpy as np

VOCAB = 1000000
D_MODEL = 64

def setup_inputs(seed: int = 0) -> dict:
    key = jax.random.key(seed)
    k1, k2 = jax.random.split(key)
    x = jax.random.randint(k1, (4096, 200), 0, VOCAB, dtype=jnp.int64 if jax.config.jax_enable_x64 else jnp.int32)
    lut = jax.random.normal(k2, (VOCAB, D_MODEL), dtype=jnp.float32)
    return {"x": x, "lut": lut}

def reference(x, lut):
    # Embeddings.forward: self.lut(x) * sqrt(d_model)
    emb = jnp.take(lut, x, axis=0)
    return emb * jnp.sqrt(jnp.float32(D_MODEL))

if __name__ == "__main__":
    import jax
    _d = setup_inputs()
    print(jax.jit(kernel)(*tuple(_d.values())))

</pallas_src>

<mosaic_0001>
#map = affine_map<(d0, d1) -> (0, 0)>
#map1 = affine_map<(d0, d1) -> (0, 0, 0)>
module attributes {stable_mosaic.version = 14 : i64} {
  func.func @emb_kernel(%arg0: i32, %arg1: i32, %arg2: memref<4096x200xi32, #tpu.memory_space<hbm>>, %arg3: memref<1000000x64xf32, #tpu.memory_space<hbm>>, %arg4: memref<4096x200x64xf32, #tpu.memory_space<hbm>>, %arg5: memref<128x200xi32, #tpu.memory_space<vmem>>, %arg6: memref<2x800x64xf32, #tpu.memory_space<vmem>>, %arg7: memref<!tpu.dma_semaphore, #tpu.memory_space<semaphore_mem>>, %arg8: memref<!tpu.dma_semaphore, #tpu.memory_space<semaphore_mem>>, %arg9: memref<!tpu.dma_semaphore, #tpu.memory_space<semaphore_mem>>) attributes {dimension_semantics = [#tpu.dimension_semantics<core_parallel>, #tpu.dimension_semantics<subcore_parallel>], iteration_bounds = array<i64: 2, 16>, scalar_prefetch = 0 : i64, scratch_operands = 5 : i64, tpu.core_type = #tpu.core_type<sc_vector_subcore>, window_params = [{transform_indices = #map}, {transform_indices = #map}, {transform_indices = #map1}]} {
    %mul3A = arith.constant 2 : i32
    %mul3A_0 = arith.muli %arg1, %mul3A : i32
    %add3A = arith.addi %mul3A_0, %arg0 : i32
    %mul3A_1 = arith.constant 128 : i32
    %mul3A_2 = arith.muli %add3A, %mul3A_1 : i32
    "tpu.region"() ({
      %run_scoped3A = tpu.sem_alloc : memref<!tpu.dma_semaphore, #tpu.memory_space<semaphore_mem>>
      %dma_start3A_132 = arith.constant 0 : i32
      %dma_start3A_133 = tpu.memref_slice %arg2[%mul3A_2, %dma_start3A_132] : memref<4096x200xi32, #tpu.memory_space<hbm>> -> memref<128x200xi32, #tpu.memory_space<hbm>>
      %dma_start3A_134 = arith.constant 0 : i32
      %dma_start3A_135 = tpu.memref_slice %arg2[%mul3A_2, %dma_start3A_134] : memref<4096x200xi32, #tpu.memory_space<hbm>> -> memref<128x200xi32, #tpu.memory_space<hbm>>
      tpu.enqueue_dma source(%dma_start3A_135 : memref<128x200xi32, #tpu.memory_space<hbm>>) target(%arg5 : memref<128x200xi32, #tpu.memory_space<vmem>>) target_semaphore(%run_scoped3A : memref<!tpu.dma_semaphore, #tpu.memory_space<semaphore_mem>>)
      %dma_wait3A_136 = arith.constant 0 : i32
      %dma_wait3A_137 = tpu.memref_slice %arg2[%mul3A_2, %dma_wait3A_136] : memref<4096x200xi32, #tpu.memory_space<hbm>> -> memref<128x200xi32, #tpu.memory_space<hbm>>
      %dma_wait3A_138 = arith.constant 0 : i32
      %dma_wait3A_139 = tpu.memref_slice %arg2[%mul3A_2, %dma_wait3A_138] : memref<4096x200xi32, #tpu.memory_space<hbm>> -> memref<128x200xi32, #tpu.memory_space<hbm>>
      tpu.wait_dma2 semaphore(%run_scoped3A : memref<!tpu.dma_semaphore, #tpu.memory_space<semaphore_mem>>) src(%dma_wait3A_139 : memref<128x200xi32, #tpu.memory_space<hbm>>) dst(%arg5 : memref<128x200xi32, #tpu.memory_space<vmem>>)
      tpu.yield
    }) : () -> ()
    %dma_start3A = arith.constant 0 : i32
    %dma_start3A_3 = arith.constant 0 : i32
    %dma_start3A_4 = arith.constant 0 : i32
    %dma_start3A_5 = arith.constant 0 : i32
    %dma_start3A_6 = tpu.memref_slice %arg6[%dma_start3A_3, %dma_start3A_4, %dma_start3A_5] : memref<2x800x64xf32, #tpu.memory_space<vmem>> -> memref<1x104x64xf32, #tpu.memory_space<vmem>>
    %dma_start3A_7 = tpu.memref_squeeze %dma_start3A_6 : memref<1x104x64xf32, #tpu.memory_space<vmem>> -> memref<104x64xf32, #tpu.memory_space<vmem>>
    %dma_start3A_8 = arith.constant 0 : i32
    %dma_start3A_9 = tpu.memref_slice %arg5[%dma_start3A, %dma_start3A_8] : memref<128x200xi32, #tpu.memory_space<vmem>> -> memref<1x104xi32, #tpu.memory_space<vmem>>
    %dma_start3A_10 = tpu.memref_squeeze %dma_start3A_9 : memref<1x104xi32, #tpu.memory_space<vmem>> -> memref<104xi32, #tpu.memory_space<vmem>>
    %dma_start3A_11 = arith.constant 0 : i32
    %dma_start3A_12 = arith.constant 0 : i32
    %dma_start3A_13 = tpu.memref_slice %arg3[%dma_start3A_11, %dma_start3A_12] : memref<1000000x64xf32, #tpu.memory_space<hbm>> -> memref<1000000x64xf32, #tpu.memory_space<hbm>>
    tpu.enqueue_indirect_dma source(%dma_start3A_13 : memref<1000000x64xf32, #tpu.memory_space<hbm>>) target(%dma_start3A_7 : memref<104x64xf32, #tpu.memory_space<vmem>>) offsets(%dma_start3A_10 : memref<104xi32, #tpu.memory_space<vmem>>) semaphore(%arg7 : memref<!tpu.dma_semaphore, #tpu.memory_space<semaphore_mem>>)
    %dma_start3A_14 = arith.constant 0 : i32
    %dma_start3A_15 = arith.constant 0 : i32
    %dma_start3A_16 = arith.constant 104 : i32
    %dma_start3A_17 = arith.constant 0 : i32
    %dma_start3A_18 = tpu.memref_slice %arg6[%dma_start3A_15, %dma_start3A_16, %dma_start3A_17] : memref<2x800x64xf32, #tpu.memory_space<vmem>> -> memref<1x96x64xf32, #tpu.memory_space<vmem>>
    %dma_start3A_19 = tpu.memref_squeeze %dma_start3A_18 : memref<1x96x64xf32, #tpu.memory_space<vmem>> -> memref<96x64xf32, #tpu.memory_space<vmem>>
    %dma_start3A_20 = arith.constant 104 : i32
    %dma_start3A_21 = tpu.memref_slice %arg5[%dma_start3A_14, %dma_start3A_20] : memref<128x200xi32, #tpu.memory_space<vmem>> -> memref<1x96xi32, #tpu.memory_space<vmem>>
    %dma_start3A_22 = tpu.memref_squeeze %dma_start3A_21 : memref<1x96xi32, #tpu.memory_space<vmem>> -> memref<96xi32, #tpu.memory_space<vmem>>
    %dma_start3A_23 = arith.constant 0 : i32
    %dma_start3A_24 = arith.constant 0 : i32
    %dma_start3A_25 = tpu.memref_slice %arg3[%dma_start3A_23, %dma_start3A_24] : memref<1000000x64xf32, #tpu.memory_space<hbm>> -> memref<1000000x64xf32, #tpu.memory_space<hbm>>
    tpu.enqueue_indirect_dma source(%dma_start3A_25 : memref<1000000x64xf32, #tpu.memory_space<hbm>>) target(%dma_start3A_19 : memref<96x64xf32, #tpu.memory_space<vmem>>) offsets(%dma_start3A_22 : memref<96xi32, #tpu.memory_space<vmem>>) semaphore(%arg7 : memref<!tpu.dma_semaphore, #tpu.memory_space<semaphore_mem>>)
    %dma_start3A_26 = arith.constant 1 : i32
    %dma_start3A_27 = arith.constant 0 : i32
    %dma_start3A_28 = arith.constant 200 : i32
    %dma_start3A_29 = arith.constant 0 : i32
    %dma_start3A_30 = tpu.memref_slice %arg6[%dma_start3A_27, %dma_start3A_28, %dma_start3A_29] : memref<2x800x64xf32, #tpu.memory_space<vmem>> -> memref<1x104x64xf32, #tpu.memory_space<vmem>>
    %dma_start3A_31 = tpu.memref_squeeze %dma_start3A_30 : memref<1x104x64xf32, #tpu.memory_space<vmem>> -> memref<104x64xf32, #tpu.memory_space<vmem>>
    %dma_start3A_32 = arith.constant 0 : i32
    %dma_start3A_33 = tpu.memref_slice %arg5[%dma_start3A_26, %dma_start3A_32] : memref<128x200xi32, #tpu.memory_space<vmem>> -> memref<1x104xi32, #tpu.memory_space<vmem>>
    %dma_start3A_34 = tpu.memref_squeeze %dma_start3A_33 : memref<1x104xi32, #tpu.memory_space<vmem>> -> memref<104xi32, #tpu.memory_space<vmem>>
    %dma_start3A_35 = arith.constant 0 : i32
    %dma_start3A_36 = arith.constant 0 : i32
    %dma_start3A_37 = tpu.memref_slice %arg3[%dma_start3A_35, %dma_start3A_36] : memref<1000000x64xf32, #tpu.memory_space<hbm>> -> memref<1000000x64xf32, #tpu.memory_space<hbm>>
    tpu.enqueue_indirect_dma source(%dma_start3A_37 : memref<1000000x64xf32, #tpu.memory_space<hbm>>) target(%dma_start3A_31 : memref<104x64xf32, #tpu.memory_space<vmem>>) offsets(%dma_start3A_34 : memref<104xi32, #tpu.memory_space<vmem>>) semaphore(%arg7 : memref<!tpu.dma_semaphore, #tpu.memory_space<semaphore_mem>>)
    %dma_start3A_38 = arith.constant 1 : i32
    %dma_start3A_39 = arith.constant 0 : i32
    %dma_start3A_40 = arith.constant 304 : i32
    %dma_start3A_41 = arith.constant 0 : i32
    %dma_start3A_42 = tpu.memref_slice %arg6[%dma_start3A_39, %dma_start3A_40, %dma_start3A_41] : memref<2x800x64xf32, #tpu.memory_space<vmem>> -> memref<1x96x64xf32, #tpu.memory_space<vmem>>
    %dma_start3A_43 = tpu.memref_squeeze %dma_start3A_42 : memref<1x96x64xf32, #tpu.memory_space<vmem>> -> memref<96x64xf32, #tpu.memory_space<vmem>>
    %dma_start3A_44 = arith.constant 104 : i32
    %dma_start3A_45 = tpu.memref_slice %arg5[%dma_start3A_38, %dma_start3A_44] : memref<128x200xi32, #tpu.memory_space<vmem>> -> memref<1x96xi32, #tpu.memory_space<vmem>>
    %dma_start3A_46 = tpu.memref_squeeze %dma_start3A_45 : memref<1x96xi32, #tpu.memory_space<vmem>> -> memref<96xi32, #tpu.memory_space<vmem>>
    %dma_start3A_47 = arith.constant 0 : i32
    %dma_start3A_48 = arith.constant 0 : i32
    %dma_start3A_49 = tpu.memref_slice %arg3[%dma_start3A_47, %dma_start3A_48] : memref<1000000x64xf32, #tpu.memory_space<hbm>> -> memref<1000000x64xf32, #tpu.memory_space<hbm>>
    tpu.enqueue_indirect_dma source(%dma_start3A_49 : memref<1000000x64xf32, #tpu.memory_space<hbm>>) target(%dma_start3A_43 : memref<96x64xf32, #tpu.memory_space<vmem>>) offsets(%dma_start3A_46 : memref<96xi32, #tpu.memory_space<vmem>>) semaphore(%arg7 : memref<!tpu.dma_semaphore, #tpu.memory_space<semaphore_mem>>)
    %dma_start3A_50 = arith.constant 2 : i32
    %dma_start3A_51 = arith.constant 0 : i32
    %dma_start3A_52 = arith.constant 400 : i32
    %dma_start3A_53 = arith.constant 0 : i32
    %dma_start3A_54 = tpu.memref_slice %arg6[%dma_start3A_51, %dma_start3A_52, %dma_start3A_53] : memref<2x800x64xf32, #tpu.memory_space<vmem>> -> memref<1x104x64xf32, #tpu.memory_space<vmem>>
    %dma_start3A_55 = tpu.memref_squeeze %dma_start3A_54 : memref<1x104x64xf32, #tpu.memory_space<vmem>> -> memref<104x64xf32, #tpu.memory_space<vmem>>
    %dma_start3A_56 = arith.constant 0 : i32
    %dma_start3A_57 = tpu.memref_slice %arg5[%dma_start3A_50, %dma_start3A_56] : memref<128x200xi32, #tpu.memory_space<vmem>> -> memref<1x104xi32, #tpu.memory_space<vmem>>
    %dma_start3A_58 = tpu.memref_squeeze %dma_start3A_57 : memref<1x104xi32, #tpu.memory_space<vmem>> -> memref<104xi32, #tpu.memory_space<vmem>>
    %dma_start3A_59 = arith.constant 0 : i32
    %dma_start3A_60 = arith.constant 0 : i32
    %dma_start3A_61 = tpu.memref_slice %arg3[%dma_start3A_59, %dma_start3A_60] : memref<1000000x64xf32, #tpu.memory_space<hbm>> -> memref<1000000x64xf32, #tpu.memory_space<hbm>>
    tpu.enqueue_indirect_dma source(%dma_start3A_61 : memref<1000000x64xf32, #tpu.memory_space<hbm>>) target(%dma_start3A_55 : memref<104x64xf32, #tpu.memory_space<vmem>>) offsets(%dma_start3A_58 : memref<104xi32, #tpu.memory_space<vmem>>) semaphore(%arg7 : memref<!tpu.dma_semaphore, #tpu.memory_space<semaphore_mem>>)
    %dma_start3A_62 = arith.constant 2 : i32
    %dma_start3A_63 = arith.constant 0 : i32
    %dma_start3A_64 = arith.constant 504 : i32
    %dma_start3A_65 = arith.constant 0 : i32
    %dma_start3A_66 = tpu.memref_slice %arg6[%dma_start3A_63, %dma_start3A_64, %dma_start3A_65] : memref<2x800x64xf32, #tpu.memory_space<vmem>> -> memref<1x96x64xf32, #tpu.memory_space<vmem>>
    %dma_start3A_67 = tpu.memref_squeeze %dma_start3A_66 : memref<1x96x64xf32, #tpu.memory_space<vmem>> -> memref<96x64xf32, #tpu.memory_space<vmem>>
    %dma_start3A_68 = arith.constant 104 : i32
    %dma_start3A_69 = tpu.memref_slice %arg5[%dma_start3A_62, %dma_start3A_68] : memref<128x200xi32, #tpu.memory_space<vmem>> -> memref<1x96xi32, #tpu.memory_space<vmem>>
    %dma_start3A_70 = tpu.memref_squeeze %dma_start3A_69 : memref<1x96xi32, #tpu.memory_space<vmem>> -> memref<96xi32, #tpu.memory_space<vmem>>
    %dma_start3A_71 = arith.constant 0 : i32
    %dma_start3A_72 = arith.constant 0 : i32
    %dma_start3A_73 = tpu.memref_slice %arg3[%dma_start3A_71, %dma_start3A_72] : memref<1000000x64xf32, #tpu.memory_space<hbm>> -> memref<1000000x64xf32, #tpu.memory_space<hbm>>
    tpu.enqueue_indirect_dma source(%dma_start3A_73 : memref<1000000x64xf32, #tpu.memory_space<hbm>>) target(%dma_start3A_67 : memref<96x64xf32, #tpu.memory_space<vmem>>) offsets(%dma_start3A_70 : memref<96xi32, #tpu.memory_space<vmem>>) semaphore(%arg7 : memref<!tpu.dma_semaphore, #tpu.memory_space<semaphore_mem>>)
    %dma_start3A_74 = arith.constant 3 : i32
    %dma_start3A_75 = arith.constant 0 : i32
    %dma_start3A_76 = arith.constant 600 : i32
    %dma_start3A_77 = arith.constant 0 : i32
    %dma_start3A_78 = tpu.memref_slice %arg6[%dma_start3A_75, %dma_start3A_76, %dma_start3A_77] : memref<2x800x64xf32, #tpu.memory_space<vmem>> -> memref<1x104x64xf32, #tpu.memory_space<vmem>>
    %dma_start3A_79 = tpu.memref_squeeze %dma_start3A_78 : memref<1x104x64xf32, #tpu.memory_space<vmem>> -> memref<104x64xf32, #tpu.memory_space<vmem>>
    %dma_start3A_80 = arith.constant 0 : i32
    %dma_start3A_81 = tpu.memref_slice %arg5[%dma_start3A_74, %dma_start3A_80] : memref<128x200xi32, #tpu.memory_space<vmem>> -> memref<1x104xi32, #tpu.memory_space<vmem>>
    %dma_start3A_82 = tpu.memref_squeeze %dma_start3A_81 : memref<1x104xi32, #tpu.memory_space<vmem>> -> memref<104xi32, #tpu.memory_space<vmem>>
    %dma_start3A_83 = arith.constant 0 : i32
    %dma_start3A_84 = arith.constant 0 : i32
    %dma_start3A_85 = tpu.memref_slice %arg3[%dma_start3A_83, %dma_start3A_84] : memref<1000000x64xf32, #tpu.memory_space<hbm>> -> memref<1000000x64xf32, #tpu.memory_space<hbm>>
    tpu.enqueue_indirect_dma source(%dma_start3A_85 : memref<1000000x64xf32, #tpu.memory_space<hbm>>) target(%dma_start3A_79 : memref<104x64xf32, #tpu.memory_space<vmem>>) offsets(%dma_start3A_82 : memref<104xi32, #tpu.memory_space<vmem>>) semaphore(%arg7 : memref<!tpu.dma_semaphore, #tpu.memory_space<semaphore_mem>>)
    %dma_start3A_86 = arith.constant 3 : i32
    %dma_start3A_87 = arith.constant 0 : i32
    %dma_start3A_88 = arith.constant 704 : i32
    %dma_start3A_89 = arith.constant 0 : i32
    %dma_start3A_90 = tpu.memref_slice %arg6[%dma_start3A_87, %dma_start3A_88, %dma_start3A_89] : memref<2x800x64xf32, #tpu.memory_space<vmem>> -> memref<1x96x64xf32, #tpu.memory_space<vmem>>
    %dma_start3A_91 = tpu.memref_squeeze %dma_start3A_90 : memref<1x96x64xf32, #tpu.memory_space<vmem>> -> memref<96x64xf32, #tpu.memory_space<vmem>>
    %dma_start3A_92 = arith.constant 104 : i32
    %dma_start3A_93 = tpu.memref_slice %arg5[%dma_start3A_86, %dma_start3A_92] : memref<128x200xi32, #tpu.memory_space<vmem>> -> memref<1x96xi32, #tpu.memory_space<vmem>>
    %dma_start3A_94 = tpu.memref_squeeze %dma_start3A_93 : memref<1x96xi32, #tpu.memory_space<vmem>> -> memref<96xi32, #tpu.memory_space<vmem>>
    %dma_start3A_95 = arith.constant 0 : i32
    %dma_start3A_96 = arith.constant 0 : i32
    %dma_start3A_97 = tpu.memref_slice %arg3[%dma_start3A_95, %dma_start3A_96] : memref<1000000x64xf32, #tpu.memory_space<hbm>> -> memref<1000000x64xf32, #tpu.memory_space<hbm>>
    tpu.enqueue_indirect_dma source(%dma_start3A_97 : memref<1000000x64xf32, #tpu.memory_space<hbm>>) target(%dma_start3A_91 : memref<96x64xf32, #tpu.memory_space<vmem>>) offsets(%dma_start3A_94 : memref<96xi32, #tpu.memory_space<vmem>>) semaphore(%arg7 : memref<!tpu.dma_semaphore, #tpu.memory_space<semaphore_mem>>)
    %scan3A = arith.constant 0 : i32
    %scan3A_98 = arith.constant 0 : i32
    %scan3A_99 = arith.constant 16 : i32
    %scan3A_100 = arith.addi %scan3A_98, %scan3A_99 : i32
    %scan3A_101 = arith.constant 1 : i32
    scf.for %scan3A_132 = %scan3A_98 to %scan3A_100 step %scan3A_101  : i32 {
      %mul3A_133 = arith.constant 2 : i32
      %mul3A_134 = arith.muli %mul3A_133, %scan3A_132 : i32
      %gt3A = arith.constant 0 : i32
      %gt3A_135 = arith.cmpi sgt, %scan3A_132, %gt3A : i32
      %convert_element_type3A = arith.extui %gt3A_135 : i1 to i32
      %cond3A = arith.constant 0 : i32
      %cond3A_136 = arith.cmpi ne, %convert_element_type3A, %cond3A : i32
      scf.if %cond3A_136 {
        %dma_wait3A_483 = arith.constant 0 : i32
        %dma_wait3A_484 = arith.constant 0 : i32
        %dma_wait3A_485 = arith.constant 0 : i32
        %dma_wait3A_486 = tpu.memref_slice %arg6[%dma_wait3A_483, %dma_wait3A_484, %dma_wait3A_485] : memref<2x800x64xf32, #tpu.memory_space<vmem>> -> memref<1x800x64xf32, #tpu.memory_space<vmem>>
        %dma_wait3A_487 = tpu.memref_squeeze %dma_wait3A_486 : memref<1x800x64xf32, #tpu.memory_space<vmem>> -> memref<800x64xf32, #tpu.memory_space<vmem>>
        %dma_wait3A_488 = arith.constant 0 : i32
        %dma_wait3A_489 = arith.constant 0 : i32
        %dma_wait3A_490 = tpu.memref_slice %arg3[%dma_wait3A_488, %dma_wait3A_489] : memref<1000000x64xf32, #tpu.memory_space<hbm>> -> memref<800x64xf32, #tpu.memory_space<hbm>>
        %dma_wait3A_491 = arith.constant 0 : i32
        %dma_wait3A_492 = arith.constant 0 : i32
        %dma_wait3A_493 = tpu.memref_slice %arg6[%dma_wait3A_483, %dma_wait3A_491, %dma_wait3A_492] : memref<2x800x64xf32, #tpu.memory_space<vmem>> -> memref<1x800x64xf32, #tpu.memory_space<vmem>>
        %dma_wait3A_494 = tpu.memref_squeeze %dma_wait3A_493 : memref<1x800x64xf32, #tpu.memory_space<vmem>> -> memref<800x64xf32, #tpu.memory_space<vmem>>
        %dma_wait3A_495 = arith.constant 0 : i32
        %dma_wait3A_496 = arith.constant 0 : i32
        %dma_wait3A_497 = tpu.memref_slice %arg3[%dma_wait3A_495, %dma_wait3A_496] : memref<1000000x64xf32, #tpu.memory_space<hbm>> -> memref<800x64xf32, #tpu.memory_space<hbm>>
        tpu.wait_dma2 semaphore(%arg9 : memref<!tpu.dma_semaphore, #tpu.memory_space<semaphore_mem>>) src(%dma_wait3A_497 : memref<800x64xf32, #tpu.memory_space<hbm>>) dst(%dma_wait3A_494 : memref<800x64xf32, #tpu.memory_space<vmem>>)
      } else {
      }
      %add3A_137 = arith.constant 1 : i32
      %add3A_138 = arith.addi %mul3A_134, %add3A_137 : i32
      %mul3A_139 = arith.constant 4 : i32
      %mul3A_140 = arith.muli %add3A_138, %mul3A_139 : i32
      %add3A_141 = arith.constant 0 : i32
      %add3A_142 = arith.addi %mul3A_140, %add3A_141 : i32
      %dma_start3A_143 = arith.constant 1 : i32
      %dma_start3A_144 = arith.constant 0 : i32
      %dma_start3A_145 = arith.constant 0 : i32
      %dma_start3A_146 = tpu.memref_slice %arg6[%dma_start3A_143, %dma_start3A_144, %dma_start3A_145] : memref<2x800x64xf32, #tpu.memory_space<vmem>> -> memref<1x104x64xf32, #tpu.memory_space<vmem>>
      %dma_start3A_147 = tpu.memref_squeeze %dma_start3A_146 : memref<1x104x64xf32, #tpu.memory_space<vmem>> -> memref<104x64xf32, #tpu.memory_space<vmem>>
      %dma_start3A_148 = arith.constant 0 : i32
      %dma_start3A_149 = tpu.memref_slice %arg5[%add3A_142, %dma_start3A_148] : memref<128x200xi32, #tpu.memory_space<vmem>> -> memref<1x104xi32, #tpu.memory_space<vmem>>
      %dma_start3A_150 = tpu.memref_squeeze %dma_start3A_149 : memref<1x104xi32, #tpu.memory_space<vmem>> -> memref<104xi32, #tpu.memory_space<vmem>>
      %dma_start3A_151 = arith.constant 0 : i32
      %dma_start3A_152 = arith.constant 0 : i32
      %dma_start3A_153 = tpu.memref_slice %arg3[%dma_start3A_151, %dma_start3A_152] : memref<1000000x64xf32, #tpu.memory_space<hbm>> -> memref<1000000x64xf32, #tpu.memory_space<hbm>>
      tpu.enqueue_indirect_dma source(%dma_start3A_153 : memref<1000000x64xf32, #tpu.memory_space<hbm>>) target(%dma_start3A_147 : memref<104x64xf32, #tpu.memory_space<vmem>>) offsets(%dma_start3A_150 : memref<104xi32, #tpu.memory_space<vmem>>) semaphore(%arg8 : memref<!tpu.dma_semaphore, #tpu.memory_space<semaphore_mem>>)
      %mul3A_154 = arith.constant 4 : i32
      %mul3A_155 = arith.muli %add3A_138, %mul3A_154 : i32
      %add3A_156 = arith.constant 0 : i32
      %add3A_157 = arith.addi %mul3A_155, %add3A_156 : i32
      %dma_start3A_158 = arith.constant 1 : i32
      %dma_start3A_159 = arith.constant 104 : i32
      %dma_start3A_160 = arith.constant 0 : i32
      %dma_start3A_161 = tpu.memref_slice %arg6[%dma_start3A_158, %dma_start3A_159, %dma_start3A_160] : memref<2x800x64xf32, #tpu.memory_space<vmem>> -> memref<1x96x64xf32, #tpu.memory_space<vmem>>
      %dma_start3A_162 = tpu.memref_squeeze %dma_start3A_161 : memref<1x96x64xf32, #tpu.memory_space<vmem>> -> memref<96x64xf32, #tpu.memory_space<vmem>>
      %dma_start3A_163 = arith.constant 104 : i32
      %dma_start3A_164 = tpu.memref_slice %arg5[%add3A_157, %dma_start3A_163] : memref<128x200xi32, #tpu.memory_space<vmem>> -> memref<1x96xi32, #tpu.memory_space<vmem>>
      %dma_start3A_165 = tpu.memref_squeeze %dma_start3A_164 : memref<1x96xi32, #tpu.memory_space<vmem>> -> memref<96xi32, #tpu.memory_space<vmem>>
      %dma_start3A_166 = arith.constant 0 : i32
      %dma_start3A_167 = arith.constant 0 : i32
      %dma_start3A_168 = tpu.memref_slice %arg3[%dma_start3A_166, %dma_start3A_167] : memref<1000000x64xf32, #tpu.memory_space<hbm>> -> memref<1000000x64xf32, #tpu.memory_space<hbm>>
      tpu.enqueue_indirect_dma source(%dma_start3A_168 : memref<1000000x64xf32, #tpu.memory_space<hbm>>) target(%dma_start3A_162 : memref<96x64xf32, #tpu.memory_space<vmem>>) offsets(%dma_start3A_165 : memref<96xi32, #tpu.memory_space<vmem>>) semaphore(%arg8 : memref<!tpu.dma_semaphore, #tpu.memory_space<semaphore_mem>>)
      %mul3A_169 = arith.constant 4 : i32
      %mul3A_170 = arith.muli %add3A_138, %mul3A_169 : i32
      %add3A_171 = arith.constant 1 : i32
      %add3A_172 = arith.addi %mul3A_170, %add3A_171 : i32
      %dma_start3A_173 = arith.constant 1 : i32
      %dma_start3A_174 = arith.constant 200 : i32
      %dma_start3A_175 = arith.constant 0 : i32
      %dma_start3A_176 = tpu.memref_slice %arg6[%dma_start3A_173, %dma_start3A_174, %dma_start3A_175] : memref<2x800x64xf32, #tpu.memory_space<vmem>> -> memref<1x104x64xf32, #tpu.memory_space<vmem>>
      %dma_start3A_177 = tpu.memref_squeeze %dma_start3A_176 : memref<1x104x64xf32, #tpu.memory_space<vmem>> -> memref<104x64xf32, #tpu.memory_space<vmem>>
      %dma_start3A_178 = arith.constant 0 : i32
      %dma_start3A_179 = tpu.memref_slice %arg5[%add3A_172, %dma_start3A_178] : memref<128x200xi32, #tpu.memory_space<vmem>> -> memref<1x104xi32, #tpu.memory_space<vmem>>
      %dma_start3A_180 = tpu.memref_squeeze %dma_start3A_179 : memref<1x104xi32, #tpu.memory_space<vmem>> -> memref<104xi32, #tpu.memory_space<vmem>>
      %dma_start3A_181 = arith.constant 0 : i32
      %dma_start3A_182 = arith.constant 0 : i32
      %dma_start3A_183 = tpu.memref_slice %arg3[%dma_start3A_181, %dma_start3A_182] : memref<1000000x64xf32, #tpu.memory_space<hbm>> -> memref<1000000x64xf32, #tpu.memory_space<hbm>>
      tpu.enqueue_indirect_dma source(%dma_start3A_183 : memref<1000000x64xf32, #tpu.memory_space<hbm>>) target(%dma_start3A_177 : memref<104x64xf32, #tpu.memory_space<vmem>>) offsets(%dma_start3A_180 : memref<104xi32, #tpu.memory_space<vmem>>) semaphore(%arg8 : memref<!tpu.dma_semaphore, #tpu.memory_space<semaphore_mem>>)
      %mul3A_184 = arith.constant 4 : i32
      %mul3A_185 = arith.muli %add3A_138, %mul3A_184 : i32
      %add3A_186 = arith.constant 1 : i32
      %add3A_187 = arith.addi %mul3A_185, %add3A_186 : i32
      %dma_start3A_188 = arith.constant 1 : i32
      %dma_start3A_189 = arith.constant 304 : i32
      %dma_start3A_190 = arith.constant 0 : i32
      %dma_start3A_191 = tpu.memref_slice %arg6[%dma_start3A_188, %dma_start3A_189, %dma_start3A_190] : memref<2x800x64xf32, #tpu.memory_space<vmem>> -> memref<1x96x64xf32, #tpu.memory_space<vmem>>
      %dma_start3A_192 = tpu.memref_squeeze %dma_start3A_191 : memref<1x96x64xf32, #tpu.memory_space<vmem>> -> memref<96x64xf32, #tpu.memory_space<vmem>>
      %dma_start3A_193 = arith.constant 104 : i32
      %dma_start3A_194 = tpu.memref_slice %arg5[%add3A_187, %dma_start3A_193] : memref<128x200xi32, #tpu.memory_space<vmem>> -> memref<1x96xi32, #tpu.memory_space<vmem>>
      %dma_start3A_195 = tpu.memref_squeeze %dma_start3A_194 : memref<1x96xi32, #tpu.memory_space<vmem>> -> memref<96xi32, #tpu.memory_space<vmem>>
      %dma_start3A_196 = arith.constant 0 : i32
      %dma_start3A_197 = arith.constant 0 : i32
      %dma_start3A_198 = tpu.memref_slice %arg3[%dma_start3A_196, %dma_start3A_197] : memref<1000000x64xf32, #tpu.memory_space<hbm>> -> memref<1000000x64xf32, #tpu.memory_space<hbm>>
      tpu.enqueue_indirect_dma source(%dma_start3A_198 : memref<1000000x64xf32, #tpu.memory_space<hbm>>) target(%dma_start3A_192 : memref<96x64xf32, #tpu.memory_space<vmem>>) offsets(%dma_start3A_195 : memref<96xi32, #tpu.memory_space<vmem>>) semaphore(%arg8 : memref<!tpu.dma_semaphore, #tpu.memory_space<semaphore_mem>>)
      %mul3A_199 = arith.constant 4 : i32
      %mul3A_200 = arith.muli %add3A_138, %mul3A_199 : i32
      %add3A_201 = arith.constant 2 : i32
      %add3A_202 = arith.addi %mul3A_200, %add3A_201 : i32
      %dma_start3A_203 = arith.constant 1 : i32
      %dma_start3A_204 = arith.constant 400 : i32
      %dma_start3A_205 = arith.constant 0 : i32
      %dma_start3A_206 = tpu.memref_slice %arg6[%dma_start3A_203, %dma_start3A_204, %dma_start3A_205] : memref<2x800x64xf32, #tpu.memory_space<vmem>> -> memref<1x104x64xf32, #tpu.memory_space<vmem>>
      %dma_start3A_207 = tpu.memref_squeeze %dma_start3A_206 : memref<1x104x64xf32, #tpu.memory_space<vmem>> -> memref<104x64xf32, #tpu.memory_space<vmem>>
      %dma_start3A_208 = arith.constant 0 : i32
      %dma_start3A_209 = tpu.memref_slice %arg5[%add3A_202, %dma_start3A_208] : memref<128x200xi32, #tpu.memory_space<vmem>> -> memref<1x104xi32, #tpu.memory_space<vmem>>
      %dma_start3A_210 = tpu.memref_squeeze %dma_start3A_209 : memref<1x104xi32, #tpu.memory_space<vmem>> -> memref<104xi32, #tpu.memory_space<vmem>>
      %dma_start3A_211 = arith.constant 0 : i32
      %dma_start3A_212 = arith.constant 0 : i32
      %dma_start3A_213 = tpu.memref_slice %arg3[%dma_start3A_211, %dma_start3A_212] : memref<1000000x64xf32, #tpu.memory_space<hbm>> -> memref<1000000x64xf32, #tpu.memory_space<hbm>>
      tpu.enqueue_indirect_dma source(%dma_start3A_213 : memref<1000000x64xf32, #tpu.memory_space<hbm>>) target(%dma_start3A_207 : memref<104x64xf32, #tpu.memory_space<vmem>>) offsets(%dma_start3A_210 : memref<104xi32, #tpu.memory_space<vmem>>) semaphore(%arg8 : memref<!tpu.dma_semaphore, #tpu.memory_space<semaphore_mem>>)
      %mul3A_214 = arith.constant 4 : i32
      %mul3A_215 = arith.muli %add3A_138, %mul3A_214 : i32
      %add3A_216 = arith.constant 2 : i32
      %add3A_217 = arith.addi %mul3A_215, %add3A_216 : i32
      %dma_start3A_218 = arith.constant 1 : i32
      %dma_start3A_219 = arith.constant 504 : i32
      %dma_start3A_220 = arith.constant 0 : i32
      %dma_start3A_221 = tpu.memref_slice %arg6[%dma_start3A_218, %dma_start3A_219, %dma_start3A_220] : memref<2x800x64xf32, #tpu.memory_space<vmem>> -> memref<1x96x64xf32, #tpu.memory_space<vmem>>
      %dma_start3A_222 = tpu.memref_squeeze %dma_start3A_221 : memref<1x96x64xf32, #tpu.memory_space<vmem>> -> memref<96x64xf32, #tpu.memory_space<vmem>>
      %dma_start3A_223 = arith.constant 104 : i32
      %dma_start3A_224 = tpu.memref_slice %arg5[%add3A_217, %dma_start3A_223] : memref<128x200xi32, #tpu.memory_space<vmem>> -> memref<1x96xi32, #tpu.memory_space<vmem>>
      %dma_start3A_225 = tpu.memref_squeeze %dma_start3A_224 : memref<1x96xi32, #tpu.memory_space<vmem>> -> memref<96xi32, #tpu.memory_space<vmem>>
      %dma_start3A_226 = arith.constant 0 : i32
      %dma_start3A_227 = arith.constant 0 : i32
      %dma_start3A_228 = tpu.memref_slice %arg3[%dma_start3A_226, %dma_start3A_227] : memref<1000000x64xf32, #tpu.memory_space<hbm>> -> memref<1000000x64xf32, #tpu.memory_space<hbm>>
      tpu.enqueue_indirect_dma source(%dma_start3A_228 : memref<1000000x64xf32, #tpu.memory_space<hbm>>) target(%dma_start3A_222 : memref<96x64xf32, #tpu.memory_space<vmem>>) offsets(%dma_start3A_225 : memref<96xi32, #tpu.memory_space<vmem>>) semaphore(%arg8 : memref<!tpu.dma_semaphore, #tpu.memory_space<semaphore_mem>>)
      %mul3A_229 = arith.constant 4 : i32
      %mul3A_230 = arith.muli %add3A_138, %mul3A_229 : i32
      %add3A_231 = arith.constant 3 : i32
      %add3A_232 = arith.addi %mul3A_230, %add3A_231 : i32
      %dma_start3A_233 = arith.constant 1 : i32
      %dma_start3A_234 = arith.constant 600 : i32
      %dma_start3A_235 = arith.constant 0 : i32
      %dma_start3A_236 = tpu.memref_slice %arg6[%dma_start3A_233, %dma_start3A_234, %dma_start3A_235] : memref<2x800x64xf32, #tpu.memory_space<vmem>> -> memref<1x104x64xf32, #tpu.memory_space<vmem>>
      %dma_start3A_237 = tpu.memref_squeeze %dma_start3A_236 : memref<1x104x64xf32, #tpu.memory_space<vmem>> -> memref<104x64xf32, #tpu.memory_space<vmem>>
      %dma_start3A_238 = arith.constant 0 : i32
      %dma_start3A_239 = tpu.memref_slice %arg5[%add3A_232, %dma_start3A_238] : memref<128x200xi32, #tpu.memory_space<vmem>> -> memref<1x104xi32, #tpu.memory_space<vmem>>
      %dma_start3A_240 = tpu.memref_squeeze %dma_start3A_239 : memref<1x104xi32, #tpu.memory_space<vmem>> -> memref<104xi32, #tpu.memory_space<vmem>>
      %dma_start3A_241 = arith.constant 0 : i32
      %dma_start3A_242 = arith.constant 0 : i32
      %dma_start3A_243 = tpu.memref_slice %arg3[%dma_start3A_241, %dma_start3A_242] : memref<1000000x64xf32, #tpu.memory_space<hbm>> -> memref<1000000x64xf32, #tpu.memory_space<hbm>>
      tpu.enqueue_indirect_dma source(%dma_start3A_243 : memref<1000000x64xf32, #tpu.memory_space<hbm>>) target(%dma_start3A_237 : memref<104x64xf32, #tpu.memory_space<vmem>>) offsets(%dma_start3A_240 : memref<104xi32, #tpu.memory_space<vmem>>) semaphore(%arg8 : memref<!tpu.dma_semaphore, #tpu.memory_space<semaphore_mem>>)
      %mul3A_244 = arith.constant 4 : i32
      %mul3A_245 = arith.muli %add3A_138, %mul3A_244 : i32
      %add3A_246 = arith.constant 3 : i32
      %add3A_247 = arith.addi %mul3A_245, %add3A_246 : i32
      %dma_start3A_248 = arith.constant 1 : i32
      %dma_start3A_249 = arith.constant 704 : i32
      %dma_start3A_250 = arith.constant 0 : i32
      %dma_start3A_251 = tpu.memref_slice %arg6[%dma_start3A_248, %dma_start3A_249, %dma_start3A_250] : memref<2x800x64xf32, #tpu.memory_space<vmem>> -> memref<1x96x64xf32, #tpu.memory_space<vmem>>
      %dma_start3A_252 = tpu.memref_squeeze %dma_start3A_251 : memref<1x96x64xf32, #tpu.memory_space<vmem>> -> memref<96x64xf32, #tpu.memory_space<vmem>>
      %dma_start3A_253 = arith.constant 104 : i32
      %dma_start3A_254 = tpu.memref_slice %arg5[%add3A_247, %dma_start3A_253] : memref<128x200xi32, #tpu.memory_space<vmem>> -> memref<1x96xi32, #tpu.memory_space<vmem>>
      %dma_start3A_255 = tpu.memref_squeeze %dma_start3A_254 : memref<1x96xi32, #tpu.memory_space<vmem>> -> memref<96xi32, #tpu.memory_space<vmem>>
      %dma_start3A_256 = arith.constant 0 : i32
      %dma_start3A_257 = arith.constant 0 : i32
      %dma_start3A_258 = tpu.memref_slice %arg3[%dma_start3A_256, %dma_start3A_257] : memref<1000000x64xf32, #tpu.memory_space<hbm>> -> memref<1000000x64xf32, #tpu.memory_space<hbm>>
      tpu.enqueue_indirect_dma source(%dma_start3A_258 : memref<1000000x64xf32, #tpu.memory_space<hbm>>) target(%dma_start3A_252 : memref<96x64xf32, #tpu.memory_space<vmem>>) offsets(%dma_start3A_255 : memref<96xi32, #tpu.memory_space<vmem>>) semaphore(%arg8 : memref<!tpu.dma_semaphore, #tpu.memory_space<semaphore_mem>>)
      %dma_wait3A_259 = arith.constant 0 : i32
      %dma_wait3A_260 = arith.constant 0 : i32
      %dma_wait3A_261 = arith.constant 0 : i32
      %dma_wait3A_262 = tpu.memref_slice %arg6[%dma_wait3A_259, %dma_wait3A_260, %dma_wait3A_261] : memref<2x800x64xf32, #tpu.memory_space<vmem>> -> memref<1x800x64xf32, #tpu.memory_space<vmem>>
      %dma_wait3A_263 = tpu.memref_squeeze %dma_wait3A_262 : memref<1x800x64xf32, #tpu.memory_space<vmem>> -> memref<800x64xf32, #tpu.memory_space<vmem>>
      %dma_wait3A_264 = arith.constant 0 : i32
      %dma_wait3A_265 = arith.constant 0 : i32
      %dma_wait3A_266 = tpu.memref_slice %arg3[%dma_wait3A_264, %dma_wait3A_265] : memref<1000000x64xf32, #tpu.memory_space<hbm>> -> memref<800x64xf32, #tpu.memory_space<hbm>>
      %dma_wait3A_267 = arith.constant 0 : i32
      %dma_wait3A_268 = arith.constant 0 : i32
      %dma_wait3A_269 = tpu.memref_slice %arg6[%dma_wait3A_259, %dma_wait3A_267, %dma_wait3A_268] : memref<2x800x64xf32, #tpu.memory_space<vmem>> -> memref<1x800x64xf32, #tpu.memory_space<vmem>>
      %dma_wait3A_270 = tpu.memref_squeeze %dma_wait3A_269 : memref<1x800x64xf32, #tpu.memory_space<vmem>> -> memref<800x64xf32, #tpu.memory_space<vmem>>
      %dma_wait3A_271 = arith.constant 0 : i32
      %dma_wait3A_272 = arith.constant 0 : i32
      %dma_wait3A_273 = tpu.memref_slice %arg3[%dma_wait3A_271, %dma_wait3A_272] : memref<1000000x64xf32, #tpu.memory_space<hbm>> -> memref<800x64xf32, #tpu.memory_space<hbm>>
      tpu.wait_dma2 semaphore(%arg7 : memref<!tpu.dma_semaphore, #tpu.memory_space<semaphore_mem>>) src(%dma_wait3A_273 : memref<800x64xf32, #tpu.memory_space<hbm>>) dst(%dma_wait3A_270 : memref<800x64xf32, #tpu.memory_space<vmem>>)
      %scan3A_274 = arith.constant 0 : i32
      %scan3A_275 = arith.constant 0 : i32
      %scan3A_276 = arith.constant 200 : i32
      %scan3A_277 = arith.addi %scan3A_275, %scan3A_276 : i32
      %scan3A_278 = arith.constant 1 : i32
      scf.for %scan3A_483 = %scan3A_275 to %scan3A_277 step %scan3A_278  : i32 {
        %mul3A_484 = arith.constant 4 : i32
        %mul3A_485 = arith.muli %scan3A_483, %mul3A_484 : i32
        %add3A_486 = arith.constant 0 : i32
        %add3A_487 = arith.addi %mul3A_485, %add3A_486 : i32
        %get3A = arith.constant 0 : i32
        %get3A_488 = arith.index_cast %get3A : i32 to index
        %get3A_489 = arith.index_cast %add3A_487 : i32 to index
        %get3A_490 = arith.constant 0 : index
        %get3A_491 = tpu.vector_load %arg6[%get3A_488, %get3A_489, %get3A_490] {strides = array<i32>} : memref<2x800x64xf32, #tpu.memory_space<vmem>>, vector<1x1x16xf32>,
        %get3A_492 = vector.shape_cast %get3A_491 : vector<1x1x16xf32> to vector<16xf32>
        %mul3A_493 = arith.constant 8.000000e+00 : f32
        %mul3A_494 = vector.broadcast %mul3A_493 : f32 to vector<16xf32>
        %mul3A_495 = arith.mulf %get3A_492, %mul3A_494 : vector<16xf32>
        %add3A_496 = arith.constant 0 : i32
        %add3A_497 = arith.addi %mul3A_485, %add3A_496 : i32
        %swap3A = arith.constant 0 : i32
        %swap3A_498 = arith.index_cast %swap3A : i32 to index
        %swap3A_499 = arith.index_cast %add3A_497 : i32 to index
        %swap3A_500 = arith.constant 0 : index
        %swap3A_501 = tpu.vector_load %arg6[%swap3A_498, %swap3A_499, %swap3A_500] {strides = array<i32>} : memref<2x800x64xf32, #tpu.memory_space<vmem>>, vector<1x1x16xf32>,
        %swap3A_502 = vector.shape_cast %swap3A_501 : vector<1x1x16xf32> to vector<16xf32>
        %swap3A_503 = vector.shape_cast %mul3A_495 : vector<16xf32> to vector<1x1x16xf32>
        tpu.vector_store %arg6[%swap3A_498, %swap3A_499, %swap3A_500], %swap3A_503 {strides = array<i32>} : memref<2x800x64xf32, #tpu.memory_space<vmem>>, vector<1x1x16xf32>,
        %add3A_504 = arith.constant 0 : i32
        %add3A_505 = arith.addi %mul3A_485, %add3A_504 : i32
        %get3A_506 = arith.constant 0 : i32
        %get3A_507 = arith.index_cast %get3A_506 : i32 to index
        %get3A_508 = arith.index_cast %add3A_505 : i32 to index
        %get3A_509 = arith.constant 16 : index
        %get3A_510 = tpu.vector_load %arg6[%get3A_507, %get3A_508, %get3A_509] {strides = array<i32>} : memref<2x800x64xf32, #tpu.memory_space<vmem>>, vector<1x1x16xf32>,
        %get3A_511 = vector.shape_cast %get3A_510 : vector<1x1x16xf32> to vector<16xf32>
        %mul3A_512 = arith.constant 8.000000e+00 : f32
        %mul3A_513 = vector.broadcast %mul3A_512 : f32 to vector<16xf32>
        %mul3A_514 = arith.mulf %get3A_511, %mul3A_513 : vector<16xf32>
        %add3A_515 = arith.constant 0 : i32
        %add3A_516 = arith.addi %mul3A_485, %add3A_515 : i32
        %swap3A_517 = arith.constant 0 : i32
        %swap3A_518 = arith.index_cast %swap3A_517 : i32 to index
        %swap3A_519 = arith.index_cast %add3A_516 : i32 to index
        %swap3A_520 = arith.constant 16 : index
        %swap3A_521 = tpu.vector_load %arg6[%swap3A_518, %swap3A_519, %swap3A_520] {strides = array<i32>} : memref<2x800x64xf32, #tpu.memory_space<vmem>>, vector<1x1x16xf32>,
        %swap3A_522 = vector.shape_cast %swap3A_521 : vector<1x1x16xf32> to vector<16xf32>
        %swap3A_523 = vector.shape_cast %mul3A_514 : vector<16xf32> to vector<1x1x16xf32>
        tpu.vector_store %arg6[%swap3A_518, %swap3A_519, %swap3A_520], %swap3A_523 {strides = array<i32>} : memref<2x800x64xf32, #tpu.memory_space<vmem>>, vector<1x1x16xf32>,
        %add3A_524 = arith.constant 0 : i32
        %add3A_525 = arith.addi %mul3A_485, %add3A_524 : i32
        %get3A_526 = arith.constant 0 : i32
        %get3A_527 = arith.index_cast %get3A_526 : i32 to index
        %get3A_528 = arith.index_cast %add3A_525 : i32 to index
        %get3A_529 = arith.constant 32 : index
        %get3A_530 = tpu.vector_load %arg6[%get3A_527, %get3A_528, %get3A_529] {strides = array<i32>} : memref<2x800x64xf32, #tpu.memory_space<vmem>>, vector<1x1x16xf32>,
        %get3A_531 = vector.shape_cast %get3A_530 : vector<1x1x16xf32> to vector<16xf32>
        %mul3A_532 = arith.constant 8.000000e+00 : f32
        %mul3A_533 = vector.broadcast %mul3A_532 : f32 to vector<16xf32>
        %mul3A_534 = arith.mulf %get3A_531, %mul3A_533 : vector<16xf32>
        %add3A_535 = arith.constant 0 : i32
        %add3A_536 = arith.addi %mul3A_485, %add3A_535 : i32
        %swap3A_537 = arith.constant 0 : i32
        %swap3A_538 = arith.index_cast %swap3A_537 : i32 to index
        %swap3A_539 = arith.index_cast %add3A_536 : i32 to index
        %swap3A_540 = arith.constant 32 : index
        %swap3A_541 = tpu.vector_load %arg6[%swap3A_538, %swap3A_539, %swap3A_540] {strides = array<i32>} : memref<2x800x64xf32, #tpu.memory_space<vmem>>, vector<1x1x16xf32>,
        %swap3A_542 = vector.shape_cast %swap3A_541 : vector<1x1x16xf32> to vector<16xf32>
        %swap3A_543 = vector.shape_cast %mul3A_534 : vector<16xf32> to vector<1x1x16xf32>
        tpu.vector_store %arg6[%swap3A_538, %swap3A_539, %swap3A_540], %swap3A_543 {strides = array<i32>} : memref<2x800x64xf32, #tpu.memory_space<vmem>>, vector<1x1x16xf32>,
        %add3A_544 = arith.constant 0 : i32
        %add3A_545 = arith.addi %mul3A_485, %add3A_544 : i32
        %get3A_546 = arith.constant 0 : i32
        %get3A_547 = arith.index_cast %get3A_546 : i32 to index
        %get3A_548 = arith.index_cast %add3A_545 : i32 to index
        %get3A_549 = arith.constant 48 : index
        %get3A_550 = tpu.vector_load %arg6[%get3A_547, %get3A_548, %get3A_549] {strides = array<i32>} : memref<2x800x64xf32, #tpu.memory_space<vmem>>, vector<1x1x16xf32>,
        %get3A_551 = vector.shape_cast %get3A_550 : vector<1x1x16xf32> to vector<16xf32>
        %mul3A_552 = arith.constant 8.000000e+00 : f32
        %mul3A_553 = vector.broadcast %mul3A_552 : f32 to vector<16xf32>
        %mul3A_554 = arith.mulf %get3A_551, %mul3A_553 : vector<16xf32>
        %add3A_555 = arith.constant 0 : i32
        %add3A_556 = arith.addi %mul3A_485, %add3A_555 : i32
        %swap3A_557 = arith.constant 0 : i32
        %swap3A_558 = arith.index_cast %swap3A_557 : i32 to index
        %swap3A_559 = arith.index_cast %add3A_556 : i32 to index
        %swap3A_560 = arith.constant 48 : index
        %swap3A_561 = tpu.vector_load %arg6[%swap3A_558, %swap3A_559, %swap3A_560] {strides = array<i32>} : memref<2x800x64xf32, #tpu.memory_space<vmem>>, vector<1x1x16xf32>,
        %swap3A_562 = vector.shape_cast %swap3A_561 : vector<1x1x16xf32> to vector<16xf32>
        %swap3A_563 = vector.shape_cast %mul3A_554 : vector<16xf32> to vector<1x1x16xf32>
        tpu.vector_store %arg6[%swap3A_558, %swap3A_559, %swap3A_560], %swap3A_563 {strides = array<i32>} : memref<2x800x64xf32, #tpu.memory_space<vmem>>, vector<1x1x16xf32>,
        %add3A_564 = arith.constant 1 : i32
        %add3A_565 = arith.addi %mul3A_485, %add3A_564 : i32
        %get3A_566 = arith.constant 0 : i32
        %get3A_567 = arith.index_cast %get3A_566 : i32 to index
        %get3A_568 = arith.index_cast %add3A_565 : i32 to index
        %get3A_569 = arith.constant 0 : index
        %get3A_570 = tpu.vector_load %arg6[%get3A_567, %get3A_568, %get3A_569] {strides = array<i32>} : memref<2x800x64xf32, #tpu.memory_space<vmem>>, vector<1x1x16xf32>,
        %get3A_571 = vector.shape_cast %get3A_570 : vector<1x1x16xf32> to vector<16xf32>
        %mul3A_572 = arith.constant 8.000000e+00 : f32
        %mul3A_573 = vector.broadcast %mul3A_572 : f32 to vector<16xf32>
        %mul3A_574 = arith.mulf %get3A_571, %mul3A_573 : vector<16xf32>
        %add3A_575 = arith.constant 1 : i32
        %add3A_576 = arith.addi %mul3A_485, %add3A_575 : i32
        %swap3A_577 = arith.constant 0 : i32
        %swap3A_578 = arith.index_cast %swap3A_577 : i32 to index
        %swap3A_579 = arith.index_cast %add3A_576 : i32 to index
        %swap3A_580 = arith.constant 0 : index
        %swap3A_581 = tpu.vector_load %arg6[%swap3A_578, %swap3A_579, %swap3A_580] {strides = array<i32>} : memref<2x800x64xf32, #tpu.memory_space<vmem>>, vector<1x1x16xf32>,
        %swap3A_582 = vector.shape_cast %swap3A_581 : vector<1x1x16xf32> to vector<16xf32>
        %swap3A_583 = vector.shape_cast %mul3A_574 : vector<16xf32> to vector<1x1x16xf32>
        tpu.vector_store %arg6[%swap3A_578, %swap3A_579, %swap3A_580], %swap3A_583 {strides = array<i32>} : memref<2x800x64xf32, #tpu.memory_space<vmem>>, vector<1x1x16xf32>,
        %add3A_584 = arith.constant 1 : i32
        %add3A_585 = arith.addi %mul3A_485, %add3A_584 : i32
        %get3A_586 = arith.constant 0 : i32
        %get3A_587 = arith.index_cast %get3A_586 : i32 to index
        %get3A_588 = arith.index_cast %add3A_585 : i32 to index
        %get3A_589 = arith.constant 16 : index
        %get3A_590 = tpu.vector_load %arg6[%get3A_587, %get3A_588, %get3A_589] {strides = array<i32>} : memref<2x800x64xf32, #tpu.memory_space<vmem>>, vector<1x1x16xf32>,
        %get3A_591 = vector.shape_cast %get3A_590 : vector<1x1x16xf32> to vector<16xf32>
        %mul3A_592 = arith.constant 8.000000e+00 : f32
        %mul3A_593 = vector.broadcast %mul3A_592 : f32 to vector<16xf32>
        %mul3A_594 = arith.mulf %get3A_591, %mul3A_593 : vector<16xf32>
        %add3A_595 = arith.constant 1 : i32
        %add3A_596 = arith.addi %mul3A_485, %add3A_595 : i32
        %swap3A_597 = arith.constant 0 : i32
        %swap3A_598 = arith.index_cast %swap3A_597 : i32 to index
        %swap3A_599 = arith.index_cast %add3A_596 : i32 to index
        %swap3A_600 = arith.constant 16 : index
        %swap3A_601 = tpu.vector_load %arg6[%swap3A_598, %swap3A_599, %swap3A_600] {strides = array<i32>} : memref<2x800x64xf32, #tpu.memory_space<vmem>>, vector<1x1x16xf32>,
        %swap3A_602 = vector.shape_cast %swap3A_601 : vector<1x1x16xf32> to vector<16xf32>
        %swap3A_603 = vector.shape_cast %mul3A_594 : vector<16xf32> to vector<1x1x16xf32>
        tpu.vector_store %arg6[%swap3A_598, %swap3A_599, %swap3A_600], %swap3A_603 {strides = array<i32>} : memref<2x800x64xf32, #tpu.memory_space<vmem>>, vector<1x1x16xf32>,
        %add3A_604 = arith.constant 1 : i32
        %add3A_605 = arith.addi %mul3A_485, %add3A_604 : i32
        %get3A_606 = arith.constant 0 : i32
        %get3A_607 = arith.index_cast %get3A_606 : i32 to index
        %get3A_608 = arith.index_cast %add3A_605 : i32 to index
        %get3A_609 = arith.constant 32 : index
        %get3A_610 = tpu.vector_load %arg6[%get3A_607, %get3A_608, %get3A_609] {strides = array<i32>} : memref<2x800x64xf32, #tpu.memory_space<vmem>>, vector<1x1x16xf32>,
        %get3A_611 = vector.shape_cast %get3A_610 : vector<1x1x16xf32> to vector<16xf32>
        %mul3A_612 = arith.constant 8.000000e+00 : f32
        %mul3A_613 = vector.broadcast %mul3A_612 : f32 to vector<16xf32>
        %mul3A_614 = arith.mulf %get3A_611, %mul3A_613 : vector<16xf32>
        %add3A_615 = arith.constant 1 : i32
        %add3A_616 = arith.addi %mul3A_485, %add3A_615 : i32
        %swap3A_617 = arith.constant 0 : i32
        %swap3A_618 = arith.index_cast %swap3A_617 : i32 to index
        %swap3A_619 = arith.index_cast %add3A_616 : i32 to index
        %swap3A_620 = arith.constant 32 : index
        %swap3A_621 = tpu.vector_load %arg6[%swap3A_618, %swap3A_619, %swap3A_620] {strides = array<i32>} : memref<2x800x64xf32, #tpu.memory_space<vmem>>, vector<1x1x16xf32>,
        %swap3A_622 = vector.shape_cast %swap3A_621 : vector<1x1x16xf32> to vector<16xf32>
        %swap3A_623 = vector.shape_cast %mul3A_614 : vector<16xf32> to vector<1x1x16xf32>
        tpu.vector_store %arg6[%swap3A_618, %swap3A_619, %swap3A_620], %swap3A_623 {strides = array<i32>} : memref<2x800x64xf32, #tpu.memory_space<vmem>>, vector<1x1x16xf32>,
        %add3A_624 = arith.constant 1 : i32
        %add3A_625 = arith.addi %mul3A_485, %add3A_624 : i32
        %get3A_626 = arith.constant 0 : i32
        %get3A_627 = arith.index_cast %get3A_626 : i32 to index
        %get3A_628 = arith.index_cast %add3A_625 : i32 to index
        %get3A_629 = arith.constant 48 : index
        %get3A_630 = tpu.vector_load %arg6[%get3A_627, %get3A_628, %get3A_629] {strides = array<i32>} : memref<2x800x64xf32, #tpu.memory_space<vmem>>, vector<1x1x16xf32>,
        %get3A_631 = vector.shape_cast %get3A_630 : vector<1x1x16xf32> to vector<16xf32>
        %mul3A_632 = arith.constant 8.000000e+00 : f32
        %mul3A_633 = vector.broadcast %mul3A_632 : f32 to vector<16xf32>
        %mul3A_634 = arith.mulf %get3A_631, %mul3A_633 : vector<16xf32>
        %add3A_635 = arith.constant 1 : i32
        %add3A_636 = arith.addi %mul3A_485, %add3A_635 : i32
        %swap3A_637 = arith.constant 0 : i32
        %swap3A_638 = arith.index_cast %swap3A_637 : i32 to index
        %swap3A_639 = arith.index_cast %add3A_636 : i32 to index
        %swap3A_640 = arith.constant 48 : index
        %swap3A_641 = tpu.vector_load %arg6[%swap3A_638, %swap3A_639, %swap3A_640] {strides = array<i32>} : memref<2x800x64xf32, #tpu.memory_space<vmem>>, vector<1x1x16xf32>,
        %swap3A_642 = vector.shape_cast %swap3A_641 : vector<1x1x16xf32> to vector<16xf32>
        %swap3A_643 = vector.shape_cast %mul3A_634 : vector<16xf32> to vector<1x1x16xf32>
        tpu.vector_store %arg6[%swap3A_638, %swap3A_639, %swap3A_640], %swap3A_643 {strides = array<i32>} : memref<2x800x64xf32, #tpu.memory_space<vmem>>, vector<1x1x16xf32>,
        %add3A_644 = arith.constant 2 : i32
        %add3A_645 = arith.addi %mul3A_485, %add3A_644 : i32
        %get3A_646 = arith.constant 0 : i32
        %get3A_647 = arith.index_cast %get3A_646 : i32 to index
        %get3A_648 = arith.index_cast %add3A_645 : i32 to index
        %get3A_649 = arith.constant 0 : index
        %get3A_650 = tpu.vector_load %arg6[%get3A_647, %get3A_648, %get3A_649] {strides = array<i32>} : memref<2x800x64xf32, #tpu.memory_space<vmem>>, vector<1x1x16xf32>,
        %get3A_651 = vector.shape_cast %get3A_650 : vector<1x1x16xf32> to vector<16xf32>
        %mul3A_652 = arith.constant 8.000000e+00 : f32
        %mul3A_653 = vector.broadcast %mul3A_652 : f32 to vector<16xf32>
        %mul3A_654 = arith.mulf %get3A_651, %mul3A_653 : vector<16xf32>
        %add3A_655 = arith.constant 2 : i32
        %add3A_656 = arith.addi %mul3A_485, %add3A_655 : i32
        %swap3A_657 = arith.constant 0 : i32
        %swap3A_658 = arith.index_cast %swap3A_657 : i32 to index
        %swap3A_659 = arith.index_cast %add3A_656 : i32 to index
        %swap3A_660 = arith.constant 0 : index
        %swap3A_661 = tpu.vector_load %arg6[%swap3A_658, %swap3A_659, %swap3A_660] {strides = array<i32>} : memref<2x800x64xf32, #tpu.memory_space<vmem>>, vector<1x1x16xf32>,
        %swap3A_662 = vector.shape_cast %swap3A_661 : vector<1x1x16xf32> to vector<16xf32>
        %swap3A_663 = vector.shape_cast %mul3A_654 : vector<16xf32> to vector<1x1x16xf32>
        tpu.vector_store %arg6[%swap3A_658, %swap3A_659, %swap3A_660], %swap3A_663 {strides = array<i32>} : memref<2x800x64xf32, #tpu.memory_space<vmem>>, vector<1x1x16xf32>,
        %add3A_664 = arith.constant 2 : i32
        %add3A_665 = arith.addi %mul3A_485, %add3A_664 : i32
        %get3A_666 = arith.constant 0 : i32
        %get3A_667 = arith.index_cast %get3A_666 : i32 to index
        %get3A_668 = arith.index_cast %add3A_665 : i32 to index
        %get3A_669 = arith.constant 16 : index
        %get3A_670 = tpu.vector_load %arg6[%get3A_667, %get3A_668, %get3A_669] {strides = array<i32>} : memref<2x800x64xf32, #tpu.memory_space<vmem>>, vector<1x1x16xf32>,
        %get3A_671 = vector.shape_cast %get3A_670 : vector<1x1x16xf32> to vector<16xf32>
        %mul3A_672 = arith.constant 8.000000e+00 : f32
        %mul3A_673 = vector.broadcast %mul3A_672 : f32 to vector<16xf32>
        %mul3A_674 = arith.mulf %get3A_671, %mul3A_673 : vector<16xf32>
        %add3A_675 = arith.constant 2 : i32
        %add3A_676 = arith.addi %mul3A_485, %add3A_675 : i32
        %swap3A_677 = arith.constant 0 : i32
        %swap3A_678 = arith.index_cast %swap3A_677 : i32 to index
        %swap3A_679 = arith.index_cast %add3A_676 : i32 to index
        %swap3A_680 = arith.constant 16 : index
        %swap3A_681 = tpu.vector_load %arg6[%swap3A_678, %swap3A_679, %swap3A_680] {strides = array<i32>} : memref<2x800x64xf32, #tpu.memory_space<vmem>>, vector<1x1x16xf32>,
        %swap3A_682 = vector.shape_cast %swap3A_681 : vector<1x1x16xf32> to vector<16xf32>
        %swap3A_683 = vector.shape_cast %mul3A_674 : vector<16xf32> to vector<1x1x16xf32>
        tpu.vector_store %arg6[%swap3A_678, %swap3A_679, %swap3A_680], %swap3A_683 {strides = array<i32>} : memref<2x800x64xf32, #tpu.memory_space<vmem>>, vector<1x1x16xf32>,
        %add3A_684 = arith.constant 2 : i32
        %add3A_685 = arith.addi %mul3A_485, %add3A_684 : i32
        %get3A_686 = arith.constant 0 : i32
        %get3A_687 = arith.index_cast %get3A_686 : i32 to index
        %get3A_688 = arith.index_cast %add3A_685 : i32 to index
        %get3A_689 = arith.constant 32 : index
        %get3A_690 = tpu.vector_load %arg6[%get3A_687, %get3A_688, %get3A_689] {strides = array<i32>} : memref<2x800x64xf32, #tpu.memory_space<vmem>>, vector<1x1x16xf32>,
        %get3A_691 = vector.shape_cast %get3A_690 : vector<1x1x16xf32> to vector<16xf32>
        %mul3A_692 = arith.constant 8.000000e+00 : f32
        %mul3A_693 = vector.broadcast %mul3A_692 : f32 to vector<16xf32>
        %mul3A_694 = arith.mulf %get3A_691, %mul3A_693 : vector<16xf32>
        %add3A_695 = arith.constant 2 : i32
        %add3A_696 = arith.addi %mul3A_485, %add3A_695 : i32
        %swap3A_697 = arith.constant 0 : i32
        %swap3A_698 = arith.index_cast %swap3A_697 : i32 to index
        %swap3A_699 = arith.index_cast %add3A_696 : i32 to index
        %swap3A_700 = arith.constant 32 : index
        %swap3A_701 = tpu.vector_load %arg6[%swap3A_698, %swap3A_699, %swap3A_700] {strides = array<i32>} : memref<2x800x64xf32, #tpu.memory_space<vmem>>, vector<1x1x16xf32>,
        %swap3A_702 = vector.shape_cast %swap3A_701 : vector<1x1x16xf32> to vector<16xf32>
        %swap3A_703 = vector.shape_cast %mul3A_694 : vector<16xf32> to vector<1x1x16xf32>
        tpu.vector_store %arg6[%swap3A_698, %swap3A_699, %swap3A_700], %swap3A_703 {strides = array<i32>} : memref<2x800x64xf32, #tpu.memory_space<vmem>>, vector<1x1x16xf32>,
        %add3A_704 = arith.constant 2 : i32
        %add3A_705 = arith.addi %mul3A_485, %add3A_704 : i32
        %get3A_706 = arith.constant 0 : i32
        %get3A_707 = arith.index_cast %get3A_706 : i32 to index
        %get3A_708 = arith.index_cast %add3A_705 : i32 to index
        %get3A_709 = arith.constant 48 : index
        %get3A_710 = tpu.vector_load %arg6[%get3A_707, %get3A_708, %get3A_709] {strides = array<i32>} : memref<2x800x64xf32, #tpu.memory_space<vmem>>, vector<1x1x16xf32>,
        %get3A_711 = vector.shape_cast %get3A_710 : vector<1x1x16xf32> to vector<16xf32>
        %mul3A_712 = arith.constant 8.000000e+00 : f32
        %mul3A_713 = vector.broadcast %mul3A_712 : f32 to vector<16xf32>
        %mul3A_714 = arith.mulf %get3A_711, %mul3A_713 : vector<16xf32>
        %add3A_715 = arith.constant 2 : i32
        %add3A_716 = arith.addi %mul3A_485, %add3A_715 : i32
        %swap3A_717 = arith.constant 0 : i32
        %swap3A_718 = arith.index_cast %swap3A_717 : i32 to index
        %swap3A_719 = arith.index_cast %add3A_716 : i32 to index
        %swap3A_720 = arith.constant 48 : index
        %swap3A_721 = tpu.vector_load %arg6[%swap3A_718, %swap3A_719, %swap3A_720] {strides = array<i32>} : memref<2x800x64xf32, #tpu.memory_space<vmem>>, vector<1x1x16xf32>,
        %swap3A_722 = vector.shape_cast %swap3A_721 : vector<1x1x16xf32> to vector<16xf32>
        %swap3A_723 = vector.shape_cast %mul3A_714 : vector<16xf32> to vector<1x1x16xf32>
        tpu.vector_store %arg6[%swap3A_718, %swap3A_719, %swap3A_720], %swap3A_723 {strides = array<i32>} : memref<2x800x64xf32, #tpu.memory_space<vmem>>, vector<1x1x16xf32>,
        %add3A_724 = arith.constant 3 : i32
        %add3A_725 = arith.addi %mul3A_485, %add3A_724 : i32
        %get3A_726 = arith.constant 0 : i32
        %get3A_727 = arith.index_cast %get3A_726 : i32 to index
        %get3A_728 = arith.index_cast %add3A_725 : i32 to index
        %get3A_729 = arith.constant 0 : index
        %get3A_730 = tpu.vector_load %arg6[%get3A_727, %get3A_728, %get3A_729] {strides = array<i32>} : memref<2x800x64xf32, #tpu.memory_space<vmem>>, vector<1x1x16xf32>,
        %get3A_731 = vector.shape_cast %get3A_730 : vector<1x1x16xf32> to vector<16xf32>
        %mul3A_732 = arith.constant 8.000000e+00 : f32
        %mul3A_733 = vector.broadcast %mul3A_732 : f32 to vector<16xf32>
        %mul3A_734 = arith.mulf %get3A_731, %mul3A_733 : vector<16xf32>
        %add3A_735 = arith.constant 3 : i32
        %add3A_736 = arith.addi %mul3A_485, %add3A_735 : i32
        %swap3A_737 = arith.constant 0 : i32
        %swap3A_738 = arith.index_cast %swap3A_737 : i32 to index
        %swap3A_739 = arith.index_cast %add3A_736 : i32 to index
        %swap3A_740 = arith.constant 0 : index
        %swap3A_741 = tpu.vector_load %arg6[%swap3A_738, %swap3A_739, %swap3A_740] {strides = array<i32>} : memref<2x800x64xf32, #tpu.memory_space<vmem>>, vector<1x1x16xf32>,
        %swap3A_742 = vector.shape_cast %swap3A_741 : vector<1x1x16xf32> to vector<16xf32>
        %swap3A_743 = vector.shape_cast %mul3A_734 : vector<16xf32> to vector<1x1x16xf32>
        tpu.vector_store %arg6[%swap3A_738, %swap3A_739, %swap3A_740], %swap3A_743 {strides = array<i32>} : memref<2x800x64xf32, #tpu.memory_space<vmem>>, vector<1x1x16xf32>,
        %add3A_744 = arith.constant 3 : i32
        %add3A_745 = arith.addi %mul3A_485, %add3A_744 : i32
        %get3A_746 = arith.constant 0 : i32
        %get3A_747 = arith.index_cast %get3A_746 : i32 to index
        %get3A_748 = arith.index_cast %add3A_745 : i32 to index
        %get3A_749 = arith.constant 16 : index
        %get3A_750 = tpu.vector_load %arg6[%get3A_747, %get3A_748, %get3A_749] {strides = array<i32>} : memref<2x800x64xf32, #tpu.memory_space<vmem>>, vector<1x1x16xf32>,
        %get3A_751 = vector.shape_cast %get3A_750 : vector<1x1x16xf32> to vector<16xf32>
        %mul3A_752 = arith.constant 8.000000e+00 : f32
        %mul3A_753 = vector.broadcast %mul3A_752 : f32 to vector<16xf32>
        %mul3A_754 = arith.mulf %get3A_751, %mul3A_753 : vector<16xf32>
        %add3A_755 = arith.constant 3 : i32
        %add3A_756 = arith.addi %mul3A_485, %add3A_755 : i32
        %swap3A_757 = arith.constant 0 : i32
        %swap3A_758 = arith.index_cast %swap3A_757 : i32 to index
        %swap3A_759 = arith.index_cast %add3A_756 : i32 to index
        %swap3A_760 = arith.constant 16 : index
        %swap3A_761 = tpu.vector_load %arg6[%swap3A_758, %swap3A_759, %swap3A_760] {strides = array<i32>} : memref<2x800x64xf32, #tpu.memory_space<vmem>>, vector<1x1x16xf32>,
        %swap3A_762 = vector.shape_cast %swap3A_761 : vector<1x1x16xf32> to vector<16xf32>
        %swap3A_763 = vector.shape_cast %mul3A_754 : vector<16xf32> to vector<1x1x16xf32>
        tpu.vector_store %arg6[%swap3A_758, %swap3A_759, %swap3A_760], %swap3A_763 {strides = array<i32>} : memref<2x800x64xf32, #tpu.memory_space<vmem>>, vector<1x1x16xf32>,
        %add3A_764 = arith.constant 3 : i32
        %add3A_765 = arith.addi %mul3A_485, %add3A_764 : i32
        %get3A_766 = arith.constant 0 : i32
        %get3A_767 = arith.index_cast %get3A_766 : i32 to index
        %get3A_768 = arith.index_cast %add3A_765 : i32 to index
        %get3A_769 = arith.constant 32 : index
        %get3A_770 = tpu.vector_load %arg6[%get3A_767, %get3A_768, %get3A_769] {strides = array<i32>} : memref<2x800x64xf32, #tpu.memory_space<vmem>>, vector<1x1x16xf32>,
        %get3A_771 = vector.shape_cast %get3A_770 : vector<1x1x16xf32> to vector<16xf32>
        %mul3A_772 = arith.constant 8.000000e+00 : f32
        %mul3A_773 = vector.broadcast %mul3A_772 : f32 to vector<16xf32>
        %mul3A_774 = arith.mulf %get3A_771, %mul3A_773 : vector<16xf32>
        %add3A_775 = arith.constant 3 : i32
        %add3A_776 = arith.addi %mul3A_485, %add3A_775 : i32
        %swap3A_777 = arith.constant 0 : i32
        %swap3A_778 = arith.index_cast %swap3A_777 : i32 to index
        %swap3A_779 = arith.index_cast %add3A_776 : i32 to index
        %swap3A_780 = arith.constant 32 : index
        %swap3A_781 = tpu.vector_load %arg6[%swap3A_778, %swap3A_779, %swap3A_780] {strides = array<i32>} : memref<2x800x64xf32, #tpu.memory_space<vmem>>, vector<1x1x16xf32>,
        %swap3A_782 = vector.shape_cast %swap3A_781 : vector<1x1x16xf32> to vector<16xf32>
        %swap3A_783 = vector.shape_cast %mul3A_774 : vector<16xf32> to vector<1x1x16xf32>
        tpu.vector_store %arg6[%swap3A_778, %swap3A_779, %swap3A_780], %swap3A_783 {strides = array<i32>} : memref<2x800x64xf32, #tpu.memory_space<vmem>>, vector<1x1x16xf32>,
        %add3A_784 = arith.constant 3 : i32
        %add3A_785 = arith.addi %mul3A_485, %add3A_784 : i32
        %get3A_786 = arith.constant 0 : i32
        %get3A_787 = arith.index_cast %get3A_786 : i32 to index
        %get3A_788 = arith.index_cast %add3A_785 : i32 to index
        %get3A_789 = arith.constant 48 : index
        %get3A_790 = tpu.vector_load %arg6[%get3A_787, %get3A_788, %get3A_789] {strides = array<i32>} : memref<2x800x64xf32, #tpu.memory_space<vmem>>, vector<1x1x16xf32>,
        %get3A_791 = vector.shape_cast %get3A_790 : vector<1x1x16xf32> to vector<16xf32>
        %mul3A_792 = arith.constant 8.000000e+00 : f32
        %mul3A_793 = vector.broadcast %mul3A_792 : f32 to vector<16xf32>
        %mul3A_794 = arith.mulf %get3A_791, %mul3A_793 : vector<16xf32>
        %add3A_795 = arith.constant 3 : i32
        %add3A_796 = arith.addi %mul3A_485, %add3A_795 : i32
        %swap3A_797 = arith.constant 0 : i32
        %swap3A_798 = arith.index_cast %swap3A_797 : i32 to index
        %swap3A_799 = arith.index_cast %add3A_796 : i32 to index
        %swap3A_800 = arith.constant 48 : index
        %swap3A_801 = tpu.vector_load %arg6[%swap3A_798, %swap3A_799, %swap3A_800] {strides = array<i32>} : memref<2x800x64xf32, #tpu.memory_space<vmem>>, vector<1x1x16xf32>,
        %swap3A_802 = vector.shape_cast %swap3A_801 : vector<1x1x16xf32> to vector<16xf32>
        %swap3A_803 = vector.shape_cast %mul3A_794 : vector<16xf32> to vector<1x1x16xf32>
        tpu.vector_store %arg6[%swap3A_798, %swap3A_799, %swap3A_800], %swap3A_803 {strides = array<i32>} : memref<2x800x64xf32, #tpu.memory_space<vmem>>, vector<1x1x16xf32>,
      }
      %scan3A_279 = arith.constant 200 : i32
      %mul3A_280 = arith.constant 4 : i32
      %mul3A_281 = arith.muli %mul3A_134, %mul3A_280 : i32
      %add3A_282 = arith.addi %mul3A_2, %mul3A_281 : i32
      %add3A_283 = arith.constant 0 : i32
      %add3A_284 = arith.addi %add3A_282, %add3A_283 : i32
      %dma_start3A_285 = arith.constant 0 : i32
      %dma_start3A_286 = arith.constant 0 : i32
      %dma_start3A_287 = arith.constant 0 : i32
      %dma_start3A_288 = tpu.memref_slice %arg6[%dma_start3A_285, %dma_start3A_286, %dma_start3A_287] : memref<2x800x64xf32, #tpu.memory_space<vmem>> -> memref<1x200x64xf32, #tpu.memory_space<vmem>>
      %dma_start3A_289 = tpu.memref_squeeze %dma_start3A_288 : memref<1x200x64xf32, #tpu.memory_space<vmem>> -> memref<200x64xf32, #tpu.memory_space<vmem>>
      %dma_start3A_290 = arith.constant 0 : i32
      %dma_start3A_291 = arith.constant 0 : i32
      %dma_start3A_292 = tpu.memref_slice %arg4[%add3A_284, %dma_start3A_290, %dma_start3A_291] : memref<4096x200x64xf32, #tpu.memory_space<hbm>> -> memref<1x200x64xf32, #tpu.memory_space<hbm>>
      %dma_start3A_293 = tpu.memref_squeeze %dma_start3A_292 : memref<1x200x64xf32, #tpu.memory_space<hbm>> -> memref<200x64xf32, #tpu.memory_space<hbm>>
      %dma_start3A_294 = arith.constant 0 : i32
      %dma_start3A_295 = arith.constant 0 : i32
      %dma_start3A_296 = tpu.memref_slice %arg4[%add3A_284, %dma_start3A_294, %dma_start3A_295] : memref<4096x200x64xf32, #tpu.memory_space<hbm>> -> memref<1x200x64xf32, #tpu.memory_space<hbm>>
      %dma_start3A_297 = tpu.memref_squeeze %dma_start3A_296 : memref<1x200x64xf32, #tpu.memory_space<hbm>> -> memref<200x64xf32, #tpu.memory_space<hbm>>
      %dma_start3A_298 = arith.constant 0 : i32
      %dma_start3A_299 = arith.constant 0 : i32
      %dma_start3A_300 = tpu.memref_slice %arg6[%dma_start3A_285, %dma_start3A_298, %dma_start3A_299] : memref<2x800x64xf32, #tpu.memory_space<vmem>> -> memref<1x200x64xf32, #tpu.memory_space<vmem>>
      %dma_start3A_301 = tpu.memref_squeeze %dma_start3A_300 : memref<1x200x64xf32, #tpu.memory_space<vmem>> -> memref<200x64xf32, #tpu.memory_space<vmem>>
      tpu.enqueue_dma source(%dma_start3A_301 : memref<200x64xf32, #tpu.memory_space<vmem>>) target(%dma_start3A_297 : memref<200x64xf32, #tpu.memory_space<hbm>>) target_semaphore(%arg9 : memref<!tpu.dma_semaphore, #tpu.memory_space<semaphore_mem>>)
      %mul3A_302 = arith.constant 4 : i32
      %mul3A_303 = arith.muli %mul3A_134, %mul3A_302 : i32
      %add3A_304 = arith.addi %mul3A_2, %mul3A_303 : i32
      %add3A_305 = arith.constant 1 : i32
      %add3A_306 = arith.addi %add3A_304, %add3A_305 : i32
      %dma_start3A_307 = arith.constant 0 : i32
      %dma_start3A_308 = arith.constant 200 : i32
      %dma_start3A_309 = arith.constant 0 : i32
      %dma_start3A_310 = tpu.memref_slice %arg6[%dma_start3A_307, %dma_start3A_308, %dma_start3A_309] : memref<2x800x64xf32, #tpu.memory_space<vmem>> -> memref<1x200x64xf32, #tpu.memory_space<vmem>>
      %dma_start3A_311 = tpu.memref_squeeze %dma_start3A_310 : memref<1x200x64xf32, #tpu.memory_space<vmem>> -> memref<200x64xf32, #tpu.memory_space<vmem>>
      %dma_start3A_312 = arith.constant 0 : i32
      %dma_start3A_313 = arith.constant 0 : i32
      %dma_start3A_314 = tpu.memref_slice %arg4[%add3A_306, %dma_start3A_312, %dma_start3A_313] : memref<4096x200x64xf32, #tpu.memory_space<hbm>> -> memref<1x200x64xf32, #tpu.memory_space<hbm>>
      %dma_start3A_315 = tpu.memref_squeeze %dma_start3A_314 : memref<1x200x64xf32, #tpu.memory_space<hbm>> -> memref<200x64xf32, #tpu.memory_space<hbm>>
      %dma_start3A_316 = arith.constant 0 : i32
      %dma_start3A_317 = arith.constant 0 : i32
      %dma_start3A_318 = tpu.memref_slice %arg4[%add3A_306, %dma_start3A_316, %dma_start3A_317] : memref<4096x200x64xf32, #tpu.memory_space<hbm>> -> memref<1x200x64xf32, #tpu.memory_space<hbm>>
      %dma_start3A_319 = tpu.memref_squeeze %dma_start3A_318 : memref<1x200x64xf32, #tpu.memory_space<hbm>> -> memref<200x64xf32, #tpu.memory_space<hbm>>
      %dma_start3A_320 = arith.constant 200 : i32
      %dma_start3A_321 = arith.constant 0 : i32
      %dma_start3A_322 = tpu.memref_slice %arg6[%dma_start3A_307, %dma_start3A_320, %dma_start3A_321] : memref<2x800x64xf32, #tpu.memory_space<vmem>> -> memref<1x200x64xf32, #tpu.memory_space<vmem>>
      %dma_start3A_323 = tpu.memref_squeeze %dma_start3A_322 : memref<1x200x64xf32, #tpu.memory_space<vmem>> -> memref<200x64xf32, #tpu.memory_space<vmem>>
      tpu.enqueue_dma source(%dma_start3A_323 : memref<200x64xf32, #tpu.memory_space<vmem>>) target(%dma_start3A_319 : memref<200x64xf32, #tpu.memory_space<hbm>>) target_semaphore(%arg9 : memref<!tpu.dma_semaphore, #tpu.memory_space<semaphore_mem>>)
      %mul3A_324 = arith.constant 4 : i32
      %mul3A_325 = arith.muli %mul3A_134, %mul3A_324 : i32
      %add3A_326 = arith.addi %mul3A_2, %mul3A_325 : i32
      %add3A_327 = arith.constant 2 : i32
      %add3A_328 = arith.addi %add3A_326, %add3A_327 : i32
      %dma_start3A_329 = arith.constant 0 : i32
      %dma_start3A_330 = arith.constant 400 : i32
      %dma_start3A_331 = arith.constant 0 : i32
      %dma_start3A_332 = tpu.memref_slice %arg6[%dma_start3A_329, %dma_start3A_330, %dma_start3A_331] : memref<2x800x64xf32, #tpu.memory_space<vmem>> -> memref<1x200x64xf32, #tpu.memory_space<vmem>>
      %dma_start3A_333 = tpu.memref_squeeze %dma_start3A_332 : memref<1x200x64xf32, #tpu.memory_space<vmem>> -> memref<200x64xf32, #tpu.memory_space<vmem>>
      %dma_start3A_334 = arith.constant 0 : i32
      %dma_start3A_335 = arith.constant 0 : i32
      %dma_start3A_336 = tpu.memref_slice %arg4[%add3A_328, %dma_start3A_334, %dma_start3A_335] : memref<4096x200x64xf32, #tpu.memory_space<hbm>> -> memref<1x200x64xf32, #tpu.memory_space<hbm>>
      %dma_start3A_337 = tpu.memref_squeeze %dma_start3A_336 : memref<1x200x64xf32, #tpu.memory_space<hbm>> -> memref<200x64xf32, #tpu.memory_space<hbm>>
      %dma_start3A_338 = arith.constant 0 : i32
      %dma_start3A_339 = arith.constant 0 : i32
      %dma_start3A_340 = tpu.memref_slice %arg4[%add3A_328, %dma_start3A_338, %dma_start3A_339] : memref<4096x200x64xf32, #tpu.memory_space<hbm>> -> memref<1x200x64xf32, #tpu.memory_space<hbm>>
      %dma_start3A_341 = tpu.memref_squeeze %dma_start3A_340 : memref<1x200x64xf32, #tpu.memory_space<hbm>> -> memref<200x64xf32, #tpu.memory_space<hbm>>
      %dma_start3A_342 = arith.constant 400 : i32
      %dma_start3A_343 = arith.constant 0 : i32
      %dma_start3A_344 = tpu.memref_slice %arg6[%dma_start3A_329, %dma_start3A_342, %dma_start3A_343] : memref<2x800x64xf32, #tpu.memory_space<vmem>> -> memref<1x200x64xf32, #tpu.memory_space<vmem>>
      %dma_start3A_345 = tpu.memref_squeeze %dma_start3A_344 : memref<1x200x64xf32, #tpu.memory_space<vmem>> -> memref<200x64xf32, #tpu.memory_space<vmem>>
      tpu.enqueue_dma source(%dma_start3A_345 : memref<200x64xf32, #tpu.memory_space<vmem>>) target(%dma_start3A_341 : memref<200x64xf32, #tpu.memory_space<hbm>>) target_semaphore(%arg9 : memref<!tpu.dma_semaphore, #tpu.memory_space<semaphore_mem>>)
      %mul3A_346 = arith.constant 4 : i32
      %mul3A_347 = arith.muli %mul3A_134, %mul3A_346 : i32
      %add3A_348 = arith.addi %mul3A_2, %mul3A_347 : i32
      %add3A_349 = arith.constant 3 : i32
      %add3A_350 = arith.addi %add3A_348, %add3A_349 : i32
      %dma_start3A_351 = arith.constant 0 : i32
      %dma_start3A_352 = arith.constant 600 : i32
      %dma_start3A_353 = arith.constant 0 : i32
      %dma_start3A_354 = tpu.memref_slice %arg6[%dma_start3A_351, %dma_start3A_352, %dma_start3A_353] : memref<2x800x64xf32, #tpu.memory_space<vmem>> -> memref<1x200x64xf32, #tpu.memory_space<vmem>>
      %dma_start3A_355 = tpu.memref_squeeze %dma_start3A_354 : memref<1x200x64xf32, #tpu.memory_space<vmem>> -> memref<200x64xf32, #tpu.memory_space<vmem>>
      %dma_start3A_356 = arith.constant 0 : i32
      %dma_start3A_357 = arith.constant 0 : i32
      %dma_start3A_358 = tpu.memref_slice %arg4[%add3A_350, %dma_start3A_356, %dma_start3A_357] : memref<4096x200x64xf32, #tpu.memory_space<hbm>> -> memref<1x200x64xf32, #tpu.memory_space<hbm>>
      %dma_start3A_359 = tpu.memref_squeeze %dma_start3A_358 : memref<1x200x64xf32, #tpu.memory_space<hbm>> -> memref<200x64xf32, #tpu.memory_space<hbm>>
      %dma_start3A_360 = arith.constant 0 : i32
      %dma_start3A_361 = arith.constant 0 : i32
      %dma_start3A_362 = tpu.memref_slice %arg4[%add3A_350, %dma_start3A_360, %dma_start3A_361] : memref<4096x200x64xf32, #tpu.memory_space<hbm>> -> memref<1x200x64xf32, #tpu.memory_space<hbm>>
      %dma_start3A_363 = tpu.memref_squeeze %dma_start3A_362 : memref<1x200x64xf32, #tpu.memory_space<hbm>> -> memref<200x64xf32, #tpu.memory_space<hbm>>
      %dma_start3A_364 = arith.constant 600 : i32
      %dma_start3A_365 = arith.constant 0 : i32
      %dma_start3A_366 = tpu.memref_slice %arg6[%dma_start3A_351, %dma_start3A_364, %dma_start3A_365] : memref<2x800x64xf32, #tpu.memory_space<vmem>> -> memref<1x200x64xf32, #tpu.memory_space<vmem>>
      %dma_start3A_367 = tpu.memref_squeeze %dma_start3A_366 : memref<1x200x64xf32, #tpu.memory_space<vmem>> -> memref<200x64xf32, #tpu.memory_space<vmem>>
      tpu.enqueue_dma source(%dma_start3A_367 : memref<200x64xf32, #tpu.memory_space<vmem>>) target(%dma_start3A_363 : memref<200x64xf32, #tpu.memory_space<hbm>>) target_semaphore(%arg9 : memref<!tpu.dma_semaphore, #tpu.memory_space<semaphore_mem>>)
      %lt3A = arith.constant 15 : i32
      %lt3A_368 = arith.cmpi slt, %scan3A_132, %lt3A : i32
      %convert_element_type3A_369 = arith.extui %lt3A_368 : i1 to i32
      %cond3A_370 = arith.constant 0 : i32
      %cond3A_371 = arith.cmpi ne, %convert_element_type3A_369, %cond3A_370 : i32
      scf.if %cond3A_371 {
        %dma_wait3A_483 = arith.constant 0 : i32
        %dma_wait3A_484 = arith.constant 0 : i32
        %dma_wait3A_485 = arith.constant 0 : i32
        %dma_wait3A_486 = tpu.memref_slice %arg6[%dma_wait3A_483, %dma_wait3A_484, %dma_wait3A_485] : memref<2x800x64xf32, #tpu.memory_space<vmem>> -> memref<1x800x64xf32, #tpu.memory_space<vmem>>
        %dma_wait3A_487 = tpu.memref_squeeze %dma_wait3A_486 : memref<1x800x64xf32, #tpu.memory_space<vmem>> -> memref<800x64xf32, #tpu.memory_space<vmem>>
        %dma_wait3A_488 = arith.constant 0 : i32
        %dma_wait3A_489 = arith.constant 0 : i32
        %dma_wait3A_490 = tpu.memref_slice %arg3[%dma_wait3A_488, %dma_wait3A_489] : memref<1000000x64xf32, #tpu.memory_space<hbm>> -> memref<800x64xf32, #tpu.memory_space<hbm>>
        %dma_wait3A_491 = arith.constant 0 : i32
        %dma_wait3A_492 = arith.constant 0 : i32
        %dma_wait3A_493 = tpu.memref_slice %arg6[%dma_wait3A_483, %dma_wait3A_491, %dma_wait3A_492] : memref<2x800x64xf32, #tpu.memory_space<vmem>> -> memref<1x800x64xf32, #tpu.memory_space<vmem>>
        %dma_wait3A_494 = tpu.memref_squeeze %dma_wait3A_493 : memref<1x800x64xf32, #tpu.memory_space<vmem>> -> memref<800x64xf32, #tpu.memory_space<vmem>>
        %dma_wait3A_495 = arith.constant 0 : i32
        %dma_wait3A_496 = arith.constant 0 : i32
        %dma_wait3A_497 = tpu.memref_slice %arg3[%dma_wait3A_495, %dma_wait3A_496] : memref<1000000x64xf32, #tpu.memory_space<hbm>> -> memref<800x64xf32, #tpu.memory_space<hbm>>
        tpu.wait_dma2 semaphore(%arg9 : memref<!tpu.dma_semaphore, #tpu.memory_space<semaphore_mem>>) src(%dma_wait3A_497 : memref<800x64xf32, #tpu.memory_space<hbm>>) dst(%dma_wait3A_494 : memref<800x64xf32, #tpu.memory_space<vmem>>)
        %add3A_498 = arith.constant 2 : i32
        %add3A_499 = arith.addi %mul3A_134, %add3A_498 : i32
        %mul3A_500 = arith.constant 4 : i32
        %mul3A_501 = arith.muli %add3A_499, %mul3A_500 : i32
        %add3A_502 = arith.constant 0 : i32
        %add3A_503 = arith.addi %mul3A_501, %add3A_502 : i32
        %dma_start3A_504 = arith.constant 0 : i32
        %dma_start3A_505 = arith.constant 0 : i32
        %dma_start3A_506 = arith.constant 0 : i32
        %dma_start3A_507 = tpu.memref_slice %arg6[%dma_start3A_504, %dma_start3A_505, %dma_start3A_506] : memref<2x800x64xf32, #tpu.memory_space<vmem>> -> memref<1x104x64xf32, #tpu.memory_space<vmem>>
        %dma_start3A_508 = tpu.memref_squeeze %dma_start3A_507 : memref<1x104x64xf32, #tpu.memory_space<vmem>> -> memref<104x64xf32, #tpu.memory_space<vmem>>
        %dma_start3A_509 = arith.constant 0 : i32
        %dma_start3A_510 = tpu.memref_slice %arg5[%add3A_503, %dma_start3A_509] : memref<128x200xi32, #tpu.memory_space<vmem>> -> memref<1x104xi32, #tpu.memory_space<vmem>>
        %dma_start3A_511 = tpu.memref_squeeze %dma_start3A_510 : memref<1x104xi32, #tpu.memory_space<vmem>> -> memref<104xi32, #tpu.memory_space<vmem>>
        %dma_start3A_512 = arith.constant 0 : i32
        %dma_start3A_513 = arith.constant 0 : i32
        %dma_start3A_514 = tpu.memref_slice %arg3[%dma_start3A_512, %dma_start3A_513] : memref<1000000x64xf32, #tpu.memory_space<hbm>> -> memref<1000000x64xf32, #tpu.memory_space<hbm>>
        tpu.enqueue_indirect_dma source(%dma_start3A_514 : memref<1000000x64xf32, #tpu.memory_space<hbm>>) target(%dma_start3A_508 : memref<104x64xf32, #tpu.memory_space<vmem>>) offsets(%dma_start3A_511 : memref<104xi32, #tpu.memory_space<vmem>>) semaphore(%arg7 : memref<!tpu.dma_semaphore, #tpu.memory_space<semaphore_mem>>)
        %mul3A_515 = arith.constant 4 : i32
        %mul3A_516 = arith.muli %add3A_499, %mul3A_515 : i32
        %add3A_517 = arith.constant 0 : i32
        %add3A_518 = arith.addi %mul3A_516, %add3A_517 : i32
        %dma_start3A_519 = arith.constant 0 : i32
        %dma_start3A_520 = arith.constant 104 : i32
        %dma_start3A_521 = arith.constant 0 : i32
        %dma_start3A_522 = tpu.memref_slice %arg6[%dma_start3A_519, %dma_start3A_520, %dma_start3A_521] : memref<2x800x64xf32, #tpu.memory_space<vmem>> -> memref<1x96x64xf32, #tpu.memory_space<vmem>>
        %dma_start3A_523 = tpu.memref_squeeze %dma_start3A_522 : memref<1x96x64xf32, #tpu.memory_space<vmem>> -> memref<96x64xf32, #tpu.memory_space<vmem>>
        %dma_start3A_524 = arith.constant 104 : i32
        %dma_start3A_525 = tpu.memref_slice %arg5[%add3A_518, %dma_start3A_524] : memref<128x200xi32, #tpu.memory_space<vmem>> -> memref<1x96xi32, #tpu.memory_space<vmem>>
        %dma_start3A_526 = tpu.memref_squeeze %dma_start3A_525 : memref<1x96xi32, #tpu.memory_space<vmem>> -> memref<96xi32, #tpu.memory_space<vmem>>
        %dma_start3A_527 = arith.constant 0 : i32
        %dma_start3A_528 = arith.constant 0 : i32
        %dma_start3A_529 = tpu.memref_slice %arg3[%dma_start3A_527, %dma_start3A_528] : memref<1000000x64xf32, #tpu.memory_space<hbm>> -> memref<1000000x64xf32, #tpu.memory_space<hbm>>
        tpu.enqueue_indirect_dma source(%dma_start3A_529 : memref<1000000x64xf32, #tpu.memory_space<hbm>>) target(%dma_start3A_523 : memref<96x64xf32, #tpu.memory_space<vmem>>) offsets(%dma_start3A_526 : memref<96xi32, #tpu.memory_space<vmem>>) semaphore(%arg7 : memref<!tpu.dma_semaphore, #tpu.memory_space<semaphore_mem>>)
        %mul3A_530 = arith.constant 4 : i32
        %mul3A_531 = arith.muli %add3A_499, %mul3A_530 : i32
        %add3A_532 = arith.constant 1 : i32
        %add3A_533 = arith.addi %mul3A_531, %add3A_532 : i32
        %dma_start3A_534 = arith.constant 0 : i32
        %dma_start3A_535 = arith.constant 200 : i32
        %dma_start3A_536 = arith.constant 0 : i32
        %dma_start3A_537 = tpu.memref_slice %arg6[%dma_start3A_534, %dma_start3A_535, %dma_start3A_536] : memref<2x800x64xf32, #tpu.memory_space<vmem>> -> memref<1x104x64xf32, #tpu.memory_space<vmem>>
        %dma_start3A_538 = tpu.memref_squeeze %dma_start3A_537 : memref<1x104x64xf32, #tpu.memory_space<vmem>> -> memref<104x64xf32, #tpu.memory_space<vmem>>
        %dma_start3A_539 = arith.constant 0 : i32
        %dma_start3A_540 = tpu.memref_slice %arg5[%add3A_533, %dma_start3A_539] : memref<128x200xi32, #tpu.memory_space<vmem>> -> memref<1x104xi32, #tpu.memory_space<vmem>>
        %dma_start3A_541 = tpu.memref_squeeze %dma_start3A_540 : memref<1x104xi32, #tpu.memory_space<vmem>> -> memref<104xi32, #tpu.memory_space<vmem>>
        %dma_start3A_542 = arith.constant 0 : i32
        %dma_start3A_543 = arith.constant 0 : i32
        %dma_start3A_544 = tpu.memref_slice %arg3[%dma_start3A_542, %dma_start3A_543] : memref<1000000x64xf32, #tpu.memory_space<hbm>> -> memref<1000000x64xf32, #tpu.memory_space<hbm>>
        tpu.enqueue_indirect_dma source(%dma_start3A_544 : memref<1000000x64xf32, #tpu.memory_space<hbm>>) target(%dma_start3A_538 : memref<104x64xf32, #tpu.memory_space<vmem>>) offsets(%dma_start3A_541 : memref<104xi32, #tpu.memory_space<vmem>>) semaphore(%arg7 : memref<!tpu.dma_semaphore, #tpu.memory_space<semaphore_mem>>)
        %mul3A_545 = arith.constant 4 : i32
        %mul3A_546 = arith.muli %add3A_499, %mul3A_545 : i32
        %add3A_547 = arith.constant 1 : i32
        %add3A_548 = arith.addi %mul3A_546, %add3A_547 : i32
        %dma_start3A_549 = arith.constant 0 : i32
        %dma_start3A_550 = arith.constant 304 : i32
        %dma_start3A_551 = arith.constant 0 : i32
        %dma_start3A_552 = tpu.memref_slice %arg6[%dma_start3A_549, %dma_start3A_550, %dma_start3A_551] : memref<2x800x64xf32, #tpu.memory_space<vmem>> -> memref<1x96x64xf32, #tpu.memory_space<vmem>>
        %dma_start3A_553 = tpu.memref_squeeze %dma_start3A_552 : memref<1x96x64xf32, #tpu.memory_space<vmem>> -> memref<96x64xf32, #tpu.memory_space<vmem>>
        %dma_start3A_554 = arith.constant 104 : i32
        %dma_start3A_555 = tpu.memref_slice %arg5[%add3A_548, %dma_start3A_554] : memref<128x200xi32, #tpu.memory_space<vmem>> -> memref<1x96xi32, #tpu.memory_space<vmem>>
        %dma_start3A_556 = tpu.memref_squeeze %dma_start3A_555 : memref<1x96xi32, #tpu.memory_space<vmem>> -> memref<96xi32, #tpu.memory_space<vmem>>
        %dma_start3A_557 = arith.constant 0 : i32
        %dma_start3A_558 = arith.constant 0 : i32
        %dma_start3A_559 = tpu.memref_slice %arg3[%dma_start3A_557, %dma_start3A_558] : memref<1000000x64xf32, #tpu.memory_space<hbm>> -> memref<1000000x64xf32, #tpu.memory_space<hbm>>
        tpu.enqueue_indirect_dma source(%dma_start3A_559 : memref<1000000x64xf32, #tpu.memory_space<hbm>>) target(%dma_start3A_553 : memref<96x64xf32, #tpu.memory_space<vmem>>) offsets(%dma_start3A_556 : memref<96xi32, #tpu.memory_space<vmem>>) semaphore(%arg7 : memref<!tpu.dma_semaphore, #tpu.memory_space<semaphore_mem>>)
        %mul3A_560 = arith.constant 4 : i32
        %mul3A_561 = arith.muli %add3A_499, %mul3A_560 : i32
        %add3A_562 = arith.constant 2 : i32
        %add3A_563 = arith.addi %mul3A_561, %add3A_562 : i32
        %dma_start3A_564 = arith.constant 0 : i32
        %dma_start3A_565 = arith.constant 400 : i32
        %dma_start3A_566 = arith.constant 0 : i32
        %dma_start3A_567 = tpu.memref_slice %arg6[%dma_start3A_564, %dma_start3A_565, %dma_start3A_566] : memref<2x800x64xf32, #tpu.memory_space<vmem>> -> memref<1x104x64xf32, #tpu.memory_space<vmem>>
        %dma_start3A_568 = tpu.memref_squeeze %dma_start3A_567 : memref<1x104x64xf32, #tpu.memory_space<vmem>> -> memref<104x64xf32, #tpu.memory_space<vmem>>
        %dma_start3A_569 = arith.constant 0 : i32
        %dma_start3A_570 = tpu.memref_slice %arg5[%add3A_563, %dma_start3A_569] : memref<128x200xi32, #tpu.memory_space<vmem>> -> memref<1x104xi32, #tpu.memory_space<vmem>>
        %dma_start3A_571 = tpu.memref_squeeze %dma_start3A_570 : memref<1x104xi32, #tpu.memory_space<vmem>> -> memref<104xi32, #tpu.memory_space<vmem>>
        %dma_start3A_572 = arith.constant 0 : i32
        %dma_start3A_573 = arith.constant 0 : i32
        %dma_start3A_574 = tpu.memref_slice %arg3[%dma_start3A_572, %dma_start3A_573] : memref<1000000x64xf32, #tpu.memory_space<hbm>> -> memref<1000000x64xf32, #tpu.memory_space<hbm>>
        tpu.enqueue_indirect_dma source(%dma_start3A_574 : memref<1000000x64xf32, #tpu.memory_space<hbm>>) target(%dma_start3A_568 : memref<104x64xf32, #tpu.memory_space<vmem>>) offsets(%dma_start3A_571 : memref<104xi32, #tpu.memory_space<vmem>>) semaphore(%arg7 : memref<!tpu.dma_semaphore, #tpu.memory_space<semaphore_mem>>)
        %mul3A_575 = arith.constant 4 : i32
        %mul3A_576 = arith.muli %add3A_499, %mul3A_575 : i32
        %add3A_577 = arith.constant 2 : i32
        %add3A_578 = arith.addi %mul3A_576, %add3A_577 : i32
        %dma_start3A_579 = arith.constant 0 : i32
        %dma_start3A_580 = arith.constant 504 : i32
        %dma_start3A_581 = arith.constant 0 : i32
        %dma_start3A_582 = tpu.memref_slice %arg6[%dma_start3A_579, %dma_start3A_580, %dma_start3A_581] : memref<2x800x64xf32, #tpu.memory_space<vmem>> -> memref<1x96x64xf32, #tpu.memory_space<vmem>>
        %dma_start3A_583 = tpu.memref_squeeze %dma_start3A_582 : memref<1x96x64xf32, #tpu.memory_space<vmem>> -> memref<96x64xf32, #tpu.memory_space<vmem>>
        %dma_start3A_584 = arith.constant 104 : i32
        %dma_start3A_585 = tpu.memref_slice %arg5[%add3A_578, %dma_start3A_584] : memref<128x200xi32, #tpu.memory_space<vmem>> -> memref<1x96xi32, #tpu.memory_space<vmem>>
        %dma_start3A_586 = tpu.memref_squeeze %dma_start3A_585 : memref<1x96xi32, #tpu.memory_space<vmem>> -> memref<96xi32, #tpu.memory_space<vmem>>
        %dma_start3A_587 = arith.constant 0 : i32
        %dma_start3A_588 = arith.constant 0 : i32
        %dma_start3A_589 = tpu.memref_slice %arg3[%dma_start3A_587, %dma_start3A_588] : memref<1000000x64xf32, #tpu.memory_space<hbm>> -> memref<1000000x64xf32, #tpu.memory_space<hbm>>
        tpu.enqueue_indirect_dma source(%dma_start3A_589 : memref<1000000x64xf32, #tpu.memory_space<hbm>>) target(%dma_start3A_583 : memref<96x64xf32, #tpu.memory_space<vmem>>) offsets(%dma_start3A_586 : memref<96xi32, #tpu.memory_space<vmem>>) semaphore(%arg7 : memref<!tpu.dma_semaphore, #tpu.memory_space<semaphore_mem>>)
        %mul3A_590 = arith.constant 4 : i32
        %mul3A_591 = arith.muli %add3A_499, %mul3A_590 : i32
        %add3A_592 = arith.constant 3 : i32
        %add3A_593 = arith.addi %mul3A_591, %add3A_592 : i32
        %dma_start3A_594 = arith.constant 0 : i32
        %dma_start3A_595 = arith.constant 600 : i32
        %dma_start3A_596 = arith.constant 0 : i32
        %dma_start3A_597 = tpu.memref_slice %arg6[%dma_start3A_594, %dma_start3A_595, %dma_start3A_596] : memref<2x800x64xf32, #tpu.memory_space<vmem>> -> memref<1x104x64xf32, #tpu.memory_space<vmem>>
        %dma_start3A_598 = tpu.memref_squeeze %dma_start3A_597 : memref<1x104x64xf32, #tpu.memory_space<vmem>> -> memref<104x64xf32, #tpu.memory_space<vmem>>
        %dma_start3A_599 = arith.constant 0 : i32
        %dma_start3A_600 = tpu.memref_slice %arg5[%add3A_593, %dma_start3A_599] : memref<128x200xi32, #tpu.memory_space<vmem>> -> memref<1x104xi32, #tpu.memory_space<vmem>>
        %dma_start3A_601 = tpu.memref_squeeze %dma_start3A_600 : memref<1x104xi32, #tpu.memory_space<vmem>> -> memref<104xi32, #tpu.memory_space<vmem>>
        %dma_start3A_602 = arith.constant 0 : i32
        %dma_start3A_603 = arith.constant 0 : i32
        %dma_start3A_604 = tpu.memref_slice %arg3[%dma_start3A_602, %dma_start3A_603] : memref<1000000x64xf32, #tpu.memory_space<hbm>> -> memref<1000000x64xf32, #tpu.memory_space<hbm>>
        tpu.enqueue_indirect_dma source(%dma_start3A_604 : memref<1000000x64xf32, #tpu.memory_space<hbm>>) target(%dma_start3A_598 : memref<104x64xf32, #tpu.memory_space<vmem>>) offsets(%dma_start3A_601 : memref<104xi32, #tpu.memory_space<vmem>>) semaphore(%arg7 : memref<!tpu.dma_semaphore, #tpu.memory_space<semaphore_mem>>)
        %mul3A_605 = arith.constant 4 : i32
        %mul3A_606 = arith.muli %add3A_499, %mul3A_605 : i32
        %add3A_607 = arith.constant 3 : i32
        %add3A_608 = arith.addi %mul3A_606, %add3A_607 : i32
        %dma_start3A_609 = arith.constant 0 : i32
        %dma_start3A_610 = arith.constant 704 : i32
        %dma_start3A_611 = arith.constant 0 : i32
        %dma_start3A_612 = tpu.memref_slice %arg6[%dma_start3A_609, %dma_start3A_610, %dma_start3A_611] : memref<2x800x64xf32, #tpu.memory_space<vmem>> -> memref<1x96x64xf32, #tpu.memory_space<vmem>>
        %dma_start3A_613 = tpu.memref_squeeze %dma_start3A_612 : memref<1x96x64xf32, #tpu.memory_space<vmem>> -> memref<96x64xf32, #tpu.memory_space<vmem>>
        %dma_start3A_614 = arith.constant 104 : i32
        %dma_start3A_615 = tpu.memref_slice %arg5[%add3A_608, %dma_start3A_614] : memref<128x200xi32, #tpu.memory_space<vmem>> -> memref<1x96xi32, #tpu.memory_space<vmem>>
        %dma_start3A_616 = tpu.memref_squeeze %dma_start3A_615 : memref<1x96xi32, #tpu.memory_space<vmem>> -> memref<96xi32, #tpu.memory_space<vmem>>
        %dma_start3A_617 = arith.constant 0 : i32
        %dma_start3A_618 = arith.constant 0 : i32
        %dma_start3A_619 = tpu.memref_slice %arg3[%dma_start3A_617, %dma_start3A_618] : memref<1000000x64xf32, #tpu.memory_space<hbm>> -> memref<1000000x64xf32, #tpu.memory_space<hbm>>
        tpu.enqueue_indirect_dma source(%dma_start3A_619 : memref<1000000x64xf32, #tpu.memory_space<hbm>>) target(%dma_start3A_613 : memref<96x64xf32, #tpu.memory_space<vmem>>) offsets(%dma_start3A_616 : memref<96xi32, #tpu.memory_space<vmem>>) semaphore(%arg7 : memref<!tpu.dma_semaphore, #tpu.memory_space<semaphore_mem>>)
      } else {
      }
      %dma_wait3A_372 = arith.constant 1 : i32
      %dma_wait3A_373 = arith.constant 0 : i32
      %dma_wait3A_374 = arith.constant 0 : i32
      %dma_wait3A_375 = tpu.memref_slice %arg6[%dma_wait3A_372, %dma_wait3A_373, %dma_wait3A_374] : memref<2x800x64xf32, #tpu.memory_space<vmem>> -> memref<1x800x64xf32, #tpu.memory_space<vmem>>
      %dma_wait3A_376 = tpu.memref_squeeze %dma_wait3A_375 : memref<1x800x64xf32, #tpu.memory_space<vmem>> -> memref<800x64xf32, #tpu.memory_space<vmem>>
      %dma_wait3A_377 = arith.constant 0 : i32
      %dma_wait3A_378 = arith.constant 0 : i32
      %dma_wait3A_379 = tpu.memref_slice %arg3[%dma_wait3A_377, %dma_wait3A_378] : memref<1000000x64xf32, #tpu.memory_space<hbm>> -> memref<800x64xf32, #tpu.memory_space<hbm>>
      %dma_wait3A_380 = arith.constant 0 : i32
      %dma_wait3A_381 = arith.constant 0 : i32
      %dma_wait3A_382 = tpu.memref_slice %arg6[%dma_wait3A_372, %dma_wait3A_380, %dma_wait3A_381] : memref<2x800x64xf32, #tpu.memory_space<vmem>> -> memref<1x800x64xf32, #tpu.memory_space<vmem>>
      %dma_wait3A_383 = tpu.memref_squeeze %dma_wait3A_382 : memref<1x800x64xf32, #tpu.memory_space<vmem>> -> memref<800x64xf32, #tpu.memory_space<vmem>>
      %dma_wait3A_384 = arith.constant 0 : i32
      %dma_wait3A_385 = arith.constant 0 : i32
      %dma_wait3A_386 = tpu.memref_slice %arg3[%dma_wait3A_384, %dma_wait3A_385] : memref<1000000x64xf32, #tpu.memory_space<hbm>> -> memref<800x64xf32, #tpu.memory_space<hbm>>
      tpu.wait_dma2 semaphore(%arg8 : memref<!tpu.dma_semaphore, #tpu.memory_space<semaphore_mem>>) src(%dma_wait3A_386 : memref<800x64xf32, #tpu.memory_space<hbm>>) dst(%dma_wait3A_383 : memref<800x64xf32, #tpu.memory_space<vmem>>)
      %scan3A_387 = arith.constant 0 : i32
      %scan3A_388 = arith.constant 0 : i32
      %scan3A_389 = arith.constant 200 : i32
      %scan3A_390 = arith.addi %scan3A_388, %scan3A_389 : i32
      %scan3A_391 = arith.constant 1 : i32
      scf.for %scan3A_483 = %scan3A_388 to %scan3A_390 step %scan3A_391  : i32 {
        %mul3A_484 = arith.constant 4 : i32
        %mul3A_485 = arith.muli %scan3A_483, %mul3A_484 : i32
        %add3A_486 = arith.constant 0 : i32
        %add3A_487 = arith.addi %mul3A_485, %add3A_486 : i32
        %get3A = arith.constant 1 : i32
        %get3A_488 = arith.index_cast %get3A : i32 to index
        %get3A_489 = arith.index_cast %add3A_487 : i32 to index
        %get3A_490 = arith.constant 0 : index
        %get3A_491 = tpu.vector_load %arg6[%get3A_488, %get3A_489, %get3A_490] {strides = array<i32>} : memref<2x800x64xf32, #tpu.memory_space<vmem>>, vector<1x1x16xf32>,
        %get3A_492 = vector.shape_cast %get3A_491 : vector<1x1x16xf32> to vector<16xf32>
        %mul3A_493 = arith.constant 8.000000e+00 : f32
        %mul3A_494 = vector.broadcast %mul3A_493 : f32 to vector<16xf32>
        %mul3A_495 = arith.mulf %get3A_492, %mul3A_494 : vector<16xf32>
        %add3A_496 = arith.constant 0 : i32
        %add3A_497 = arith.addi %mul3A_485, %add3A_496 : i32
        %swap3A = arith.constant 1 : i32
        %swap3A_498 = arith.index_cast %swap3A : i32 to index
        %swap3A_499 = arith.index_cast %add3A_497 : i32 to index
        %swap3A_500 = arith.constant 0 : index
        %swap3A_501 = tpu.vector_load %arg6[%swap3A_498, %swap3A_499, %swap3A_500] {strides = array<i32>} : memref<2x800x64xf32, #tpu.memory_space<vmem>>, vector<1x1x16xf32>,
        %swap3A_502 = vector.shape_cast %swap3A_501 : vector<1x1x16xf32> to vector<16xf32>
        %swap3A_503 = vector.shape_cast %mul3A_495 : vector<16xf32> to vector<1x1x16xf32>
        tpu.vector_store %arg6[%swap3A_498, %swap3A_499, %swap3A_500], %swap3A_503 {strides = array<i32>} : memref<2x800x64xf32, #tpu.memory_space<vmem>>, vector<1x1x16xf32>,
        %add3A_504 = arith.constant 0 : i32
        %add3A_505 = arith.addi %mul3A_485, %add3A_504 : i32
        %get3A_506 = arith.constant 1 : i32
        %get3A_507 = arith.index_cast %get3A_506 : i32 to index
        %get3A_508 = arith.index_cast %add3A_505 : i32 to index
        %get3A_509 = arith.constant 16 : index
        %get3A_510 = tpu.vector_load %arg6[%get3A_507, %get3A_508, %get3A_509] {strides = array<i32>} : memref<2x800x64xf32, #tpu.memory_space<vmem>>, vector<1x1x16xf32>,
        %get3A_511 = vector.shape_cast %get3A_510 : vector<1x1x16xf32> to vector<16xf32>
        %mul3A_512 = arith.constant 8.000000e+00 : f32
        %mul3A_513 = vector.broadcast %mul3A_512 : f32 to vector<16xf32>
        %mul3A_514 = arith.mulf %get3A_511, %mul3A_513 : vector<16xf32>
        %add3A_515 = arith.constant 0 : i32
        %add3A_516 = arith.addi %mul3A_485, %add3A_515 : i32
        %swap3A_517 = arith.constant 1 : i32
        %swap3A_518 = arith.index_cast %swap3A_517 : i32 to index
        %swap3A_519 = arith.index_cast %add3A_516 : i32 to index
        %swap3A_520 = arith.constant 16 : index
        %swap3A_521 = tpu.vector_load %arg6[%swap3A_518, %swap3A_519, %swap3A_520] {strides = array<i32>} : memref<2x800x64xf32, #tpu.memory_space<vmem>>, vector<1x1x16xf32>,
        %swap3A_522 = vector.shape_cast %swap3A_521 : vector<1x1x16xf32> to vector<16xf32>
        %swap3A_523 = vector.shape_cast %mul3A_514 : vector<16xf32> to vector<1x1x16xf32>
        tpu.vector_store %arg6[%swap3A_518, %swap3A_519, %swap3A_520], %swap3A_523 {strides = array<i32>} : memref<2x800x64xf32, #tpu.memory_space<vmem>>, vector<1x1x16xf32>,
        %add3A_524 = arith.constant 0 : i32
        %add3A_525 = arith.addi %mul3A_485, %add3A_524 : i32
        %get3A_526 = arith.constant 1 : i32
        %get3A_527 = arith.index_cast %get3A_526 : i32 to index
        %get3A_528 = arith.index_cast %add3A_525 : i32 to index
        %get3A_529 = arith.constant 32 : index
        %get3A_530 = tpu.vector_load %arg6[%get3A_527, %get3A_528, %get3A_529] {strides = array<i32>} : memref<2x800x64xf32, #tpu.memory_space<vmem>>, vector<1x1x16xf32>,
        %get3A_531 = vector.shape_cast %get3A_530 : vector<1x1x16xf32> to vector<16xf32>
        %mul3A_532 = arith.constant 8.000000e+00 : f32
        %mul3A_533 = vector.broadcast %mul3A_532 : f32 to vector<16xf32>
        %mul3A_534 = arith.mulf %get3A_531, %mul3A_533 : vector<16xf32>
        %add3A_535 = arith.constant 0 : i32
        %add3A_536 = arith.addi %mul3A_485, %add3A_535 : i32
        %swap3A_537 = arith.constant 1 : i32
        %swap3A_538 = arith.index_cast %swap3A_537 : i32 to index
        %swap3A_539 = arith.index_cast %add3A_536 : i32 to index
        %swap3A_540 = arith.constant 32 : index
        %swap3A_541 = tpu.vector_load %arg6[%swap3A_538, %swap3A_539, %swap3A_540] {strides = array<i32>} : memref<2x800x64xf32, #tpu.memory_space<vmem>>, vector<1x1x16xf32>,
        %swap3A_542 = vector.shape_cast %swap3A_541 : vector<1x1x16xf32> to vector<16xf32>
        %swap3A_543 = vector.shape_cast %mul3A_534 : vector<16xf32> to vector<1x1x16xf32>
        tpu.vector_store %arg6[%swap3A_538, %swap3A_539, %swap3A_540], %swap3A_543 {strides = array<i32>} : memref<2x800x64xf32, #tpu.memory_space<vmem>>, vector<1x1x16xf32>,
        %add3A_544 = arith.constant 0 : i32
        %add3A_545 = arith.addi %mul3A_485, %add3A_544 : i32
        %get3A_546 = arith.constant 1 : i32
        %get3A_547 = arith.index_cast %get3A_546 : i32 to index
        %get3A_548 = arith.index_cast %add3A_545 : i32 to index
        %get3A_549 = arith.constant 48 : index
        %get3A_550 = tpu.vector_load %arg6[%get3A_547, %get3A_548, %get3A_549] {strides = array<i32>} : memref<2x800x64xf32, #tpu.memory_space<vmem>>, vector<1x1x16xf32>,
        %get3A_551 = vector.shape_cast %get3A_550 : vector<1x1x16xf32> to vector<16xf32>
        %mul3A_552 = arith.constant 8.000000e+00 : f32
        %mul3A_553 = vector.broadcast %mul3A_552 : f32 to vector<16xf32>
        %mul3A_554 = arith.mulf %get3A_551, %mul3A_553 : vector<16xf32>
        %add3A_555 = arith.constant 0 : i32
        %add3A_556 = arith.addi %mul3A_485, %add3A_555 : i32
        %swap3A_557 = arith.constant 1 : i32
        %swap3A_558 = arith.index_cast %swap3A_557 : i32 to index
        %swap3A_559 = arith.index_cast %add3A_556 : i32 to index
        %swap3A_560 = arith.constant 48 : index
        %swap3A_561 = tpu.vector_load %arg6[%swap3A_558, %swap3A_559, %swap3A_560] {strides = array<i32>} : memref<2x800x64xf32, #tpu.memory_space<vmem>>, vector<1x1x16xf32>,
        %swap3A_562 = vector.shape_cast %swap3A_561 : vector<1x1x16xf32> to vector<16xf32>
        %swap3A_563 = vector.shape_cast %mul3A_554 : vector<16xf32> to vector<1x1x16xf32>
        tpu.vector_store %arg6[%swap3A_558, %swap3A_559, %swap3A_560], %swap3A_563 {strides = array<i32>} : memref<2x800x64xf32, #tpu.memory_space<vmem>>, vector<1x1x16xf32>,
        %add3A_564 = arith.constant 1 : i32
        %add3A_565 = arith.addi %mul3A_485, %add3A_564 : i32
        %get3A_566 = arith.constant 1 : i32
        %get3A_567 = arith.index_cast %get3A_566 : i32 to index
        %get3A_568 = arith.index_cast %add3A_565 : i32 to index
        %get3A_569 = arith.constant 0 : index
        %get3A_570 = tpu.vector_load %arg6[%get3A_567, %get3A_568, %get3A_569] {strides = array<i32>} : memref<2x800x64xf32, #tpu.memory_space<vmem>>, vector<1x1x16xf32>,
        %get3A_571 = vector.shape_cast %get3A_570 : vector<1x1x16xf32> to vector<16xf32>
        %mul3A_572 = arith.constant 8.000000e+00 : f32
        %mul3A_573 = vector.broadcast %mul3A_572 : f32 to vector<16xf32>
        %mul3A_574 = arith.mulf %get3A_571, %mul3A_573 : vector<16xf32>
        %add3A_575 = arith.constant 1 : i32
        %add3A_576 = arith.addi %mul3A_485, %add3A_575 : i32
        %swap3A_577 = arith.constant 1 : i32
        %swap3A_578 = arith.index_cast %swap3A_577 : i32 to index
        %swap3A_579 = arith.index_cast %add3A_576 : i32 to index
        %swap3A_580 = arith.constant 0 : index
        %swap3A_581 = tpu.vector_load %arg6[%swap3A_578, %swap3A_579, %swap3A_580] {strides = array<i32>} : memref<2x800x64xf32, #tpu.memory_space<vmem>>, vector<1x1x16xf32>,
        %swap3A_582 = vector.shape_cast %swap3A_581 : vector<1x1x16xf32> to vector<16xf32>
        %swap3A_583 = vector.shape_cast %mul3A_574 : vector<16xf32> to vector<1x1x16xf32>
        tpu.vector_store %arg6[%swap3A_578, %swap3A_579, %swap3A_580], %swap3A_583 {strides = array<i32>} : memref<2x800x64xf32, #tpu.memory_space<vmem>>, vector<1x1x16xf32>,
        %add3A_584 = arith.constant 1 : i32
        %add3A_585 = arith.addi %mul3A_485, %add3A_584 : i32
        %get3A_586 = arith.constant 1 : i32
        %get3A_587 = arith.index_cast %get3A_586 : i32 to index
        %get3A_588 = arith.index_cast %add3A_585 : i32 to index
        %get3A_589 = arith.constant 16 : index
        %get3A_590 = tpu.vector_load %arg6[%get3A_587, %get3A_588, %get3A_589] {strides = array<i32>} : memref<2x800x64xf32, #tpu.memory_space<vmem>>, vector<1x1x16xf32>,
        %get3A_591 = vector.shape_cast %get3A_590 : vector<1x1x16xf32> to vector<16xf32>
        %mul3A_592 = arith.constant 8.000000e+00 : f32
        %mul3A_593 = vector.broadcast %mul3A_592 : f32 to vector<16xf32>
        %mul3A_594 = arith.mulf %get3A_591, %mul3A_593 : vector<16xf32>
        %add3A_595 = arith.constant 1 : i32
        %add3A_596 = arith.addi %mul3A_485, %add3A_595 : i32
        %swap3A_597 = arith.constant 1 : i32
        %swap3A_598 = arith.index_cast %swap3A_597 : i32 to index
        %swap3A_599 = arith.index_cast %add3A_596 : i32 to index
        %swap3A_600 = arith.constant 16 : index
        %swap3A_601 = tpu.vector_load %arg6[%swap3A_598, %swap3A_599, %swap3A_600] {strides = array<i32>} : memref<2x800x64xf32, #tpu.memory_space<vmem>>, vector<1x1x16xf32>,
        %swap3A_602 = vector.shape_cast %swap3A_601 : vector<1x1x16xf32> to vector<16xf32>
        %swap3A_603 = vector.shape_cast %mul3A_594 : vector<16xf32> to vector<1x1x16xf32>
        tpu.vector_store %arg6[%swap3A_598, %swap3A_599, %swap3A_600], %swap3A_603 {strides = array<i32>} : memref<2x800x64xf32, #tpu.memory_space<vmem>>, vector<1x1x16xf32>,
        %add3A_604 = arith.constant 1 : i32
        %add3A_605 = arith.addi %mul3A_485, %add3A_604 : i32
        %get3A_606 = arith.constant 1 : i32
        %get3A_607 = arith.index_cast %get3A_606 : i32 to index
        %get3A_608 = arith.index_cast %add3A_605 : i32 to index
        %get3A_609 = arith.constant 32 : index
        %get3A_610 = tpu.vector_load %arg6[%get3A_607, %get3A_608, %get3A_609] {strides = array<i32>} : memref<2x800x64xf32, #tpu.memory_space<vmem>>, vector<1x1x16xf32>,
        %get3A_611 = vector.shape_cast %get3A_610 : vector<1x1x16xf32> to vector<16xf32>
        %mul3A_612 = arith.constant 8.000000e+00 : f32
        %mul3A_613 = vector.broadcast %mul3A_612 : f32 to vector<16xf32>
        %mul3A_614 = arith.mulf %get3A_611, %mul3A_613 : vector<16xf32>
        %add3A_615 = arith.constant 1 : i32
        %add3A_616 = arith.addi %mul3A_485, %add3A_615 : i32
        %swap3A_617 = arith.constant 1 : i32
        %swap3A_618 = arith.index_cast %swap3A_617 : i32 to index
        %swap3A_619 = arith.index_cast %add3A_616 : i32 to index
        %swap3A_620 = arith.constant 32 : index
        %swap3A_621 = tpu.vector_load %arg6[%swap3A_618, %swap3A_619, %swap3A_620] {strides = array<i32>} : memref<2x800x64xf32, #tpu.memory_space<vmem>>, vector<1x1x16xf32>,
        %swap3A_622 = vector.shape_cast %swap3A_621 : vector<1x1x16xf32> to vector<16xf32>
        %swap3A_623 = vector.shape_cast %mul3A_614 : vector<16xf32> to vector<1x1x16xf32>
        tpu.vector_store %arg6[%swap3A_618, %swap3A_619, %swap3A_620], %swap3A_623 {strides = array<i32>} : memref<2x800x64xf32, #tpu.memory_space<vmem>>, vector<1x1x16xf32>,
        %add3A_624 = arith.constant 1 : i32
        %add3A_625 = arith.addi %mul3A_485, %add3A_624 : i32
        %get3A_626 = arith.constant 1 : i32
        %get3A_627 = arith.index_cast %get3A_626 : i32 to index
        %get3A_628 = arith.index_cast %add3A_625 : i32 to index
        %get3A_629 = arith.constant 48 : index
        %get3A_630 = tpu.vector_load %arg6[%get3A_627, %get3A_628, %get3A_629] {strides = array<i32>} : memref<2x800x64xf32, #tpu.memory_space<vmem>>, vector<1x1x16xf32>,
        %get3A_631 = vector.shape_cast %get3A_630 : vector<1x1x16xf32> to vector<16xf32>
        %mul3A_632 = arith.constant 8.000000e+00 : f32
        %mul3A_633 = vector.broadcast %mul3A_632 : f32 to vector<16xf32>
        %mul3A_634 = arith.mulf %get3A_631, %mul3A_633 : vector<16xf32>
        %add3A_635 = arith.constant 1 : i32
        %add3A_636 = arith.addi %mul3A_485, %add3A_635 : i32
        %swap3A_637 = arith.constant 1 : i32
        %swap3A_638 = arith.index_cast %swap3A_637 : i32 to index
        %swap3A_639 = arith.index_cast %add3A_636 : i32 to index
        %swap3A_640 = arith.constant 48 : index
        %swap3A_641 = tpu.vector_load %arg6[%swap3A_638, %swap3A_639, %swap3A_640] {strides = array<i32>} : memref<2x800x64xf32, #tpu.memory_space<vmem>>, vector<1x1x16xf32>,
        %swap3A_642 = vector.shape_cast %swap3A_641 : vector<1x1x16xf32> to vector<16xf32>
        %swap3A_643 = vector.shape_cast %mul3A_634 : vector<16xf32> to vector<1x1x16xf32>
        tpu.vector_store %arg6[%swap3A_638, %swap3A_639, %swap3A_640], %swap3A_643 {strides = array<i32>} : memref<2x800x64xf32, #tpu.memory_space<vmem>>, vector<1x1x16xf32>,
        %add3A_644 = arith.constant 2 : i32
        %add3A_645 = arith.addi %mul3A_485, %add3A_644 : i32
        %get3A_646 = arith.constant 1 : i32
        %get3A_647 = arith.index_cast %get3A_646 : i32 to index
        %get3A_648 = arith.index_cast %add3A_645 : i32 to index
        %get3A_649 = arith.constant 0 : index
        %get3A_650 = tpu.vector_load %arg6[%get3A_647, %get3A_648, %get3A_649] {strides = array<i32>} : memref<2x800x64xf32, #tpu.memory_space<vmem>>, vector<1x1x16xf32>,
        %get3A_651 = vector.shape_cast %get3A_650 : vector<1x1x16xf32> to vector<16xf32>
        %mul3A_652 = arith.constant 8.000000e+00 : f32
        %mul3A_653 = vector.broadcast %mul3A_652 : f32 to vector<16xf32>
        %mul3A_654 = arith.mulf %get3A_651, %mul3A_653 : vector<16xf32>
        %add3A_655 = arith.constant 2 : i32
        %add3A_656 = arith.addi %mul3A_485, %add3A_655 : i32
        %swap3A_657 = arith.constant 1 : i32
        %swap3A_658 = arith.index_cast %swap3A_657 : i32 to index
        %swap3A_659 = arith.index_cast %add3A_656 : i32 to index
        %swap3A_660 = arith.constant 0 : index
        %swap3A_661 = tpu.vector_load %arg6[%swap3A_658, %swap3A_659, %swap3A_660] {strides = array<i32>} : memref<2x800x64xf32, #tpu.memory_space<vmem>>, vector<1x1x16xf32>,
        %swap3A_662 = vector.shape_cast %swap3A_661 : vector<1x1x16xf32> to vector<16xf32>
        %swap3A_663 = vector.shape_cast %mul3A_654 : vector<16xf32> to vector<1x1x16xf32>
        tpu.vector_store %arg6[%swap3A_658, %swap3A_659, %swap3A_660], %swap3A_663 {strides = array<i32>} : memref<2x800x64xf32, #tpu.memory_space<vmem>>, vector<1x1x16xf32>,
        %add3A_664 = arith.constant 2 : i32
        %add3A_665 = arith.addi %mul3A_485, %add3A_664 : i32
        %get3A_666 = arith.constant 1 : i32
        %get3A_667 = arith.index_cast %get3A_666 : i32 to index
        %get3A_668 = arith.index_cast %add3A_665 : i32 to index
        %get3A_669 = arith.constant 16 : index
        %get3A_670 = tpu.vector_load %arg6[%get3A_667, %get3A_668, %get3A_669] {strides = array<i32>} : memref<2x800x64xf32, #tpu.memory_space<vmem>>, vector<1x1x16xf32>,
        %get3A_671 = vector.shape_cast %get3A_670 : vector<1x1x16xf32> to vector<16xf32>
        %mul3A_672 = arith.constant 8.000000e+00 : f32
        %mul3A_673 = vector.broadcast %mul3A_672 : f32 to vector<16xf32>
        %mul3A_674 = arith.mulf %get3A_671, %mul3A_673 : vector<16xf32>
        %add3A_675 = arith.constant 2 : i32
        %add3A_676 = arith.addi %mul3A_485, %add3A_675 : i32
        %swap3A_677 = arith.constant 1 : i32
        %swap3A_678 = arith.index_cast %swap3A_677 : i32 to index
        %swap3A_679 = arith.index_cast %add3A_676 : i32 to index
        %swap3A_680 = arith.constant 16 : index
        %swap3A_681 = tpu.vector_load %arg6[%swap3A_678, %swap3A_679, %swap3A_680] {strides = array<i32>} : memref<2x800x64xf32, #tpu.memory_space<vmem>>, vector<1x1x16xf32>,
        %swap3A_682 = vector.shape_cast %swap3A_681 : vector<1x1x16xf32> to vector<16xf32>
        %swap3A_683 = vector.shape_cast %mul3A_674 : vector<16xf32> to vector<1x1x16xf32>
        tpu.vector_store %arg6[%swap3A_678, %swap3A_679, %swap3A_680], %swap3A_683 {strides = array<i32>} : memref<2x800x64xf32, #tpu.memory_space<vmem>>, vector<1x1x16xf32>,
        %add3A_684 = arith.constant 2 : i32
        %add3A_685 = arith.addi %mul3A_485, %add3A_684 : i32
        %get3A_686 = arith.constant 1 : i32
        %get3A_687 = arith.index_cast %get3A_686 : i32 to index
        %get3A_688 = arith.index_cast %add3A_685 : i32 to index
        %get3A_689 = arith.constant 32 : index
        %get3A_690 = tpu.vector_load %arg6[%get3A_687, %get3A_688, %get3A_689] {strides = array<i32>} : memref<2x800x64xf32, #tpu.memory_space<vmem>>, vector<1x1x16xf32>,
        %get3A_691 = vector.shape_cast %get3A_690 : vector<1x1x16xf32> to vector<16xf32>
        %mul3A_692 = arith.constant 8.000000e+00 : f32
        %mul3A_693 = vector.broadcast %mul3A_692 : f32 to vector<16xf32>
        %mul3A_694 = arith.mulf %get3A_691, %mul3A_693 : vector<16xf32>
        %add3A_695 = arith.constant 2 : i32
        %add3A_696 = arith.addi %mul3A_485, %add3A_695 : i32
        %swap3A_697 = arith.constant 1 : i32
        %swap3A_698 = arith.index_cast %swap3A_697 : i32 to index
        %swap3A_699 = arith.index_cast %add3A_696 : i32 to index
        %swap3A_700 = arith.constant 32 : index
        %swap3A_701 = tpu.vector_load %arg6[%swap3A_698, %swap3A_699, %swap3A_700] {strides = array<i32>} : memref<2x800x64xf32, #tpu.memory_space<vmem>>, vector<1x1x16xf32>,
        %swap3A_702 = vector.shape_cast %swap3A_701 : vector<1x1x16xf32> to vector<16xf32>
        %swap3A_703 = vector.shape_cast %mul3A_694 : vector<16xf32> to vector<1x1x16xf32>
        tpu.vector_store %arg6[%swap3A_698, %swap3A_699, %swap3A_700], %swap3A_703 {strides = array<i32>} : memref<2x800x64xf32, #tpu.memory_space<vmem>>, vector<1x1x16xf32>,
        %add3A_704 = arith.constant 2 : i32
        %add3A_705 = arith.addi %mul3A_485, %add3A_704 : i32
        %get3A_706 = arith.constant 1 : i32
        %get3A_707 = arith.index_cast %get3A_706 : i32 to index
        %get3A_708 = arith.index_cast %add3A_705 : i32 to index
        %get3A_709 = arith.constant 48 : index
        %get3A_710 = tpu.vector_load %arg6[%get3A_707, %get3A_708, %get3A_709] {strides = array<i32>} : memref<2x800x64xf32, #tpu.memory_space<vmem>>, vector<1x1x16xf32>,
        %get3A_711 = vector.shape_cast %get3A_710 : vector<1x1x16xf32> to vector<16xf32>
        %mul3A_712 = arith.constant 8.000000e+00 : f32
        %mul3A_713 = vector.broadcast %mul3A_712 : f32 to vector<16xf32>
        %mul3A_714 = arith.mulf %get3A_711, %mul3A_713 : vector<16xf32>
        %add3A_715 = arith.constant 2 : i32
        %add3A_716 = arith.addi %mul3A_485, %add3A_715 : i32
        %swap3A_717 = arith.constant 1 : i32
        %swap3A_718 = arith.index_cast %swap3A_717 : i32 to index
        %swap3A_719 = arith.index_cast %add3A_716 : i32 to index
        %swap3A_720 = arith.constant 48 : index
        %swap3A_721 = tpu.vector_load %arg6[%swap3A_718, %swap3A_719, %swap3A_720] {strides = array<i32>} : memref<2x800x64xf32, #tpu.memory_space<vmem>>, vector<1x1x16xf32>,
        %swap3A_722 = vector.shape_cast %swap3A_721 : vector<1x1x16xf32> to vector<16xf32>
        %swap3A_723 = vector.shape_cast %mul3A_714 : vector<16xf32> to vector<1x1x16xf32>
        tpu.vector_store %arg6[%swap3A_718, %swap3A_719, %swap3A_720], %swap3A_723 {strides = array<i32>} : memref<2x800x64xf32, #tpu.memory_space<vmem>>, vector<1x1x16xf32>,
        %add3A_724 = arith.constant 3 : i32
        %add3A_725 = arith.addi %mul3A_485, %add3A_724 : i32
        %get3A_726 = arith.constant 1 : i32
        %get3A_727 = arith.index_cast %get3A_726 : i32 to index
        %get3A_728 = arith.index_cast %add3A_725 : i32 to index
        %get3A_729 = arith.constant 0 : index
        %get3A_730 = tpu.vector_load %arg6[%get3A_727, %get3A_728, %get3A_729] {strides = array<i32>} : memref<2x800x64xf32, #tpu.memory_space<vmem>>, vector<1x1x16xf32>,
        %get3A_731 = vector.shape_cast %get3A_730 : vector<1x1x16xf32> to vector<16xf32>
        %mul3A_732 = arith.constant 8.000000e+00 : f32
        %mul3A_733 = vector.broadcast %mul3A_732 : f32 to vector<16xf32>
        %mul3A_734 = arith.mulf %get3A_731, %mul3A_733 : vector<16xf32>
        %add3A_735 = arith.constant 3 : i32
        %add3A_736 = arith.addi %mul3A_485, %add3A_735 : i32
        %swap3A_737 = arith.constant 1 : i32
        %swap3A_738 = arith.index_cast %swap3A_737 : i32 to index
        %swap3A_739 = arith.index_cast %add3A_736 : i32 to index
        %swap3A_740 = arith.constant 0 : index
        %swap3A_741 = tpu.vector_load %arg6[%swap3A_738, %swap3A_739, %swap3A_740] {strides = array<i32>} : memref<2x800x64xf32, #tpu.memory_space<vmem>>, vector<1x1x16xf32>,
        %swap3A_742 = vector.shape_cast %swap3A_741 : vector<1x1x16xf32> to vector<16xf32>
        %swap3A_743 = vector.shape_cast %mul3A_734 : vector<16xf32> to vector<1x1x16xf32>
        tpu.vector_store %arg6[%swap3A_738, %swap3A_739, %swap3A_740], %swap3A_743 {strides = array<i32>} : memref<2x800x64xf32, #tpu.memory_space<vmem>>, vector<1x1x16xf32>,
        %add3A_744 = arith.constant 3 : i32
        %add3A_745 = arith.addi %mul3A_485, %add3A_744 : i32
        %get3A_746 = arith.constant 1 : i32
        %get3A_747 = arith.index_cast %get3A_746 : i32 to index
        %get3A_748 = arith.index_cast %add3A_745 : i32 to index
        %get3A_749 = arith.constant 16 : index
        %get3A_750 = tpu.vector_load %arg6[%get3A_747, %get3A_748, %get3A_749] {strides = array<i32>} : memref<2x800x64xf32, #tpu.memory_space<vmem>>, vector<1x1x16xf32>,
        %get3A_751 = vector.shape_cast %get3A_750 : vector<1x1x16xf32> to vector<16xf32>
        %mul3A_752 = arith.constant 8.000000e+00 : f32
        %mul3A_753 = vector.broadcast %mul3A_752 : f32 to vector<16xf32>
        %mul3A_754 = arith.mulf %get3A_751, %mul3A_753 : vector<16xf32>
        %add3A_755 = arith.constant 3 : i32
        %add3A_756 = arith.addi %mul3A_485, %add3A_755 : i32
        %swap3A_757 = arith.constant 1 : i32
        %swap3A_758 = arith.index_cast %swap3A_757 : i32 to index
        %swap3A_759 = arith.index_cast %add3A_756 : i32 to index
        %swap3A_760 = arith.constant 16 : index
        %swap3A_761 = tpu.vector_load %arg6[%swap3A_758, %swap3A_759, %swap3A_760] {strides = array<i32>} : memref<2x800x64xf32, #tpu.memory_space<vmem>>, vector<1x1x16xf32>,
        %swap3A_762 = vector.shape_cast %swap3A_761 : vector<1x1x16xf32> to vector<16xf32>
        %swap3A_763 = vector.shape_cast %mul3A_754 : vector<16xf32> to vector<1x1x16xf32>
        tpu.vector_store %arg6[%swap3A_758, %swap3A_759, %swap3A_760], %swap3A_763 {strides = array<i32>} : memref<2x800x64xf32, #tpu.memory_space<vmem>>, vector<1x1x16xf32>,
        %add3A_764 = arith.constant 3 : i32
        %add3A_765 = arith.addi %mul3A_485, %add3A_764 : i32
        %get3A_766 = arith.constant 1 : i32
        %get3A_767 = arith.index_cast %get3A_766 : i32 to index
        %get3A_768 = arith.index_cast %add3A_765 : i32 to index
        %get3A_769 = arith.constant 32 : index
        %get3A_770 = tpu.vector_load %arg6[%get3A_767, %get3A_768, %get3A_769] {strides = array<i32>} : memref<2x800x64xf32, #tpu.memory_space<vmem>>, vector<1x1x16xf32>,
        %get3A_771 = vector.shape_cast %get3A_770 : vector<1x1x16xf32> to vector<16xf32>
        %mul3A_772 = arith.constant 8.000000e+00 : f32
        %mul3A_773 = vector.broadcast %mul3A_772 : f32 to vector<16xf32>
        %mul3A_774 = arith.mulf %get3A_771, %mul3A_773 : vector<16xf32>
        %add3A_775 = arith.constant 3 : i32
        %add3A_776 = arith.addi %mul3A_485, %add3A_775 : i32
        %swap3A_777 = arith.constant 1 : i32
        %swap3A_778 = arith.index_cast %swap3A_777 : i32 to index
        %swap3A_779 = arith.index_cast %add3A_776 : i32 to index
        %swap3A_780 = arith.constant 32 : index
        %swap3A_781 = tpu.vector_load %arg6[%swap3A_778, %swap3A_779, %swap3A_780] {strides = array<i32>} : memref<2x800x64xf32, #tpu.memory_space<vmem>>, vector<1x1x16xf32>,
        %swap3A_782 = vector.shape_cast %swap3A_781 : vector<1x1x16xf32> to vector<16xf32>
        %swap3A_783 = vector.shape_cast %mul3A_774 : vector<16xf32> to vector<1x1x16xf32>
        tpu.vector_store %arg6[%swap3A_778, %swap3A_779, %swap3A_780], %swap3A_783 {strides = array<i32>} : memref<2x800x64xf32, #tpu.memory_space<vmem>>, vector<1x1x16xf32>,
        %add3A_784 = arith.constant 3 : i32
        %add3A_785 = arith.addi %mul3A_485, %add3A_784 : i32
        %get3A_786 = arith.constant 1 : i32
        %get3A_787 = arith.index_cast %get3A_786 : i32 to index
        %get3A_788 = arith.index_cast %add3A_785 : i32 to index
        %get3A_789 = arith.constant 48 : index
        %get3A_790 = tpu.vector_load %arg6[%get3A_787, %get3A_788, %get3A_789] {strides = array<i32>} : memref<2x800x64xf32, #tpu.memory_space<vmem>>, vector<1x1x16xf32>,
        %get3A_791 = vector.shape_cast %get3A_790 : vector<1x1x16xf32> to vector<16xf32>
        %mul3A_792 = arith.constant 8.000000e+00 : f32
        %mul3A_793 = vector.broadcast %mul3A_792 : f32 to vector<16xf32>
        %mul3A_794 = arith.mulf %get3A_791, %mul3A_793 : vector<16xf32>
        %add3A_795 = arith.constant 3 : i32
        %add3A_796 = arith.addi %mul3A_485, %add3A_795 : i32
        %swap3A_797 = arith.constant 1 : i32
        %swap3A_798 = arith.index_cast %swap3A_797 : i32 to index
        %swap3A_799 = arith.index_cast %add3A_796 : i32 to index
        %swap3A_800 = arith.constant 48 : index
        %swap3A_801 = tpu.vector_load %arg6[%swap3A_798, %swap3A_799, %swap3A_800] {strides = array<i32>} : memref<2x800x64xf32, #tpu.memory_space<vmem>>, vector<1x1x16xf32>,
        %swap3A_802 = vector.shape_cast %swap3A_801 : vector<1x1x16xf32> to vector<16xf32>
        %swap3A_803 = vector.shape_cast %mul3A_794 : vector<16xf32> to vector<1x1x16xf32>
        tpu.vector_store %arg6[%swap3A_798, %swap3A_799, %swap3A_800], %swap3A_803 {strides = array<i32>} : memref<2x800x64xf32, #tpu.memory_space<vmem>>, vector<1x1x16xf32>,
      }
      %scan3A_392 = arith.constant 200 : i32
      %add3A_393 = arith.constant 1 : i32
      %add3A_394 = arith.addi %mul3A_134, %add3A_393 : i32
      %mul3A_395 = arith.constant 4 : i32
      %mul3A_396 = arith.muli %add3A_394, %mul3A_395 : i32
      %add3A_397 = arith.addi %mul3A_2, %mul3A_396 : i32
      %add3A_398 = arith.constant 0 : i32
      %add3A_399 = arith.addi %add3A_397, %add3A_398 : i32
      %dma_start3A_400 = arith.constant 1 : i32
      %dma_start3A_401 = arith.constant 0 : i32
      %dma_start3A_402 = arith.constant 0 : i32
      %dma_start3A_403 = tpu.memref_slice %arg6[%dma_start3A_400, %dma_start3A_401, %dma_start3A_402] : memref<2x800x64xf32, #tpu.memory_space<vmem>> -> memref<1x200x64xf32, #tpu.memory_space<vmem>>
      %dma_start3A_404 = tpu.memref_squeeze %dma_start3A_403 : memref<1x200x64xf32, #tpu.memory_space<vmem>> -> memref<200x64xf32, #tpu.memory_space<vmem>>
      %dma_start3A_405 = arith.constant 0 : i32
      %dma_start3A_406 = arith.constant 0 : i32
      %dma_start3A_407 = tpu.memref_slice %arg4[%add3A_399, %dma_start3A_405, %dma_start3A_406] : memref<4096x200x64xf32, #tpu.memory_space<hbm>> -> memref<1x200x64xf32, #tpu.memory_space<hbm>>
      %dma_start3A_408 = tpu.memref_squeeze %dma_start3A_407 : memref<1x200x64xf32, #tpu.memory_space<hbm>> -> memref<200x64xf32, #tpu.memory_space<hbm>>
      %dma_start3A_409 = arith.constant 0 : i32
      %dma_start3A_410 = arith.constant 0 : i32
      %dma_start3A_411 = tpu.memref_slice %arg4[%add3A_399, %dma_start3A_409, %dma_start3A_410] : memref<4096x200x64xf32, #tpu.memory_space<hbm>> -> memref<1x200x64xf32, #tpu.memory_space<hbm>>
      %dma_start3A_412 = tpu.memref_squeeze %dma_start3A_411 : memref<1x200x64xf32, #tpu.memory_space<hbm>> -> memref<200x64xf32, #tpu.memory_space<hbm>>
      %dma_start3A_413 = arith.constant 0 : i32
      %dma_start3A_414 = arith.constant 0 : i32
      %dma_start3A_415 = tpu.memref_slice %arg6[%dma_start3A_400, %dma_start3A_413, %dma_start3A_414] : memref<2x800x64xf32, #tpu.memory_space<vmem>> -> memref<1x200x64xf32, #tpu.memory_space<vmem>>
      %dma_start3A_416 = tpu.memref_squeeze %dma_start3A_415 : memref<1x200x64xf32, #tpu.memory_space<vmem>> -> memref<200x64xf32, #tpu.memory_space<vmem>>
      tpu.enqueue_dma source(%dma_start3A_416 : memref<200x64xf32, #tpu.memory_space<vmem>>) target(%dma_start3A_412 : memref<200x64xf32, #tpu.memory_space<hbm>>) target_semaphore(%arg9 : memref<!tpu.dma_semaphore, #tpu.memory_space<semaphore_mem>>)
      %mul3A_417 = arith.constant 4 : i32
      %mul3A_418 = arith.muli %add3A_394, %mul3A_417 : i32
      %add3A_419 = arith.addi %mul3A_2, %mul3A_418 : i32
      %add3A_420 = arith.constant 1 : i32
      %add3A_421 = arith.addi %add3A_419, %add3A_420 : i32
      %dma_start3A_422 = arith.constant 1 : i32
      %dma_start3A_423 = arith.constant 200 : i32
      %dma_start3A_424 = arith.constant 0 : i32
      %dma_start3A_425 = tpu.memref_slice %arg6[%dma_start3A_422, %dma_start3A_423, %dma_start3A_424] : memref<2x800x64xf32, #tpu.memory_space<vmem>> -> memref<1x200x64xf32, #tpu.memory_space<vmem>>
      %dma_start3A_426 = tpu.memref_squeeze %dma_start3A_425 : memref<1x200x64xf32, #tpu.memory_space<vmem>> -> memref<200x64xf32, #tpu.memory_space<vmem>>
      %dma_start3A_427 = arith.constant 0 : i32
      %dma_start3A_428 = arith.constant 0 : i32
      %dma_start3A_429 = tpu.memref_slice %arg4[%add3A_421, %dma_start3A_427, %dma_start3A_428] : memref<4096x200x64xf32, #tpu.memory_space<hbm>> -> memref<1x200x64xf32, #tpu.memory_space<hbm>>
      %dma_start3A_430 = tpu.memref_squeeze %dma_start3A_429 : memref<1x200x64xf32, #tpu.memory_space<hbm>> -> memref<200x64xf32, #tpu.memory_space<hbm>>
      %dma_start3A_431 = arith.constant 0 : i32
      %dma_start3A_432 = arith.constant 0 : i32
      %dma_start3A_433 = tpu.memref_slice %arg4[%add3A_421, %dma_start3A_431, %dma_start3A_432] : memref<4096x200x64xf32, #tpu.memory_space<hbm>> -> memref<1x200x64xf32, #tpu.memory_space<hbm>>
      %dma_start3A_434 = tpu.memref_squeeze %dma_start3A_433 : memref<1x200x64xf32, #tpu.memory_space<hbm>> -> memref<200x64xf32, #tpu.memory_space<hbm>>
      %dma_start3A_435 = arith.constant 200 : i32
      %dma_start3A_436 = arith.constant 0 : i32
      %dma_start3A_437 = tpu.memref_slice %arg6[%dma_start3A_422, %dma_start3A_435, %dma_start3A_436] : memref<2x800x64xf32, #tpu.memory_space<vmem>> -> memref<1x200x64xf32, #tpu.memory_space<vmem>>
      %dma_start3A_438 = tpu.memref_squeeze %dma_start3A_437 : memref<1x200x64xf32, #tpu.memory_space<vmem>> -> memref<200x64xf32, #tpu.memory_space<vmem>>
      tpu.enqueue_dma source(%dma_start3A_438 : memref<200x64xf32, #tpu.memory_space<vmem>>) target(%dma_start3A_434 : memref<200x64xf32, #tpu.memory_space<hbm>>) target_semaphore(%arg9 : memref<!tpu.dma_semaphore, #tpu.memory_space<semaphore_mem>>)
      %mul3A_439 = arith.constant 4 : i32
      %mul3A_440 = arith.muli %add3A_394, %mul3A_439 : i32
      %add3A_441 = arith.addi %mul3A_2, %mul3A_440 : i32
      %add3A_442 = arith.constant 2 : i32
      %add3A_443 = arith.addi %add3A_441, %add3A_442 : i32
      %dma_start3A_444 = arith.constant 1 : i32
      %dma_start3A_445 = arith.constant 400 : i32
      %dma_start3A_446 = arith.constant 0 : i32
      %dma_start3A_447 = tpu.memref_slice %arg6[%dma_start3A_444, %dma_start3A_445, %dma_start3A_446] : memref<2x800x64xf32, #tpu.memory_space<vmem>> -> memref<1x200x64xf32, #tpu.memory_space<vmem>>
      %dma_start3A_448 = tpu.memref_squeeze %dma_start3A_447 : memref<1x200x64xf32, #tpu.memory_space<vmem>> -> memref<200x64xf32, #tpu.memory_space<vmem>>
      %dma_start3A_449 = arith.constant 0 : i32
      %dma_start3A_450 = arith.constant 0 : i32
      %dma_start3A_451 = tpu.memref_slice %arg4[%add3A_443, %dma_start3A_449, %dma_start3A_450] : memref<4096x200x64xf32, #tpu.memory_space<hbm>> -> memref<1x200x64xf32, #tpu.memory_space<hbm>>
      %dma_start3A_452 = tpu.memref_squeeze %dma_start3A_451 : memref<1x200x64xf32, #tpu.memory_space<hbm>> -> memref<200x64xf32, #tpu.memory_space<hbm>>
      %dma_start3A_453 = arith.constant 0 : i32
      %dma_start3A_454 = arith.constant 0 : i32
      %dma_start3A_455 = tpu.memref_slice %arg4[%add3A_443, %dma_start3A_453, %dma_start3A_454] : memref<4096x200x64xf32, #tpu.memory_space<hbm>> -> memref<1x200x64xf32, #tpu.memory_space<hbm>>
      %dma_start3A_456 = tpu.memref_squeeze %dma_start3A_455 : memref<1x200x64xf32, #tpu.memory_space<hbm>> -> memref<200x64xf32, #tpu.memory_space<hbm>>
      %dma_start3A_457 = arith.constant 400 : i32
      %dma_start3A_458 = arith.constant 0 : i32
      %dma_start3A_459 = tpu.memref_slice %arg6[%dma_start3A_444, %dma_start3A_457, %dma_start3A_458] : memref<2x800x64xf32, #tpu.memory_space<vmem>> -> memref<1x200x64xf32, #tpu.memory_space<vmem>>
      %dma_start3A_460 = tpu.memref_squeeze %dma_start3A_459 : memref<1x200x64xf32, #tpu.memory_space<vmem>> -> memref<200x64xf32, #tpu.memory_space<vmem>>
      tpu.enqueue_dma source(%dma_start3A_460 : memref<200x64xf32, #tpu.memory_space<vmem>>) target(%dma_start3A_456 : memref<200x64xf32, #tpu.memory_space<hbm>>) target_semaphore(%arg9 : memref<!tpu.dma_semaphore, #tpu.memory_space<semaphore_mem>>)
      %mul3A_461 = arith.constant 4 : i32
      %mul3A_462 = arith.muli %add3A_394, %mul3A_461 : i32
      %add3A_463 = arith.addi %mul3A_2, %mul3A_462 : i32
      %add3A_464 = arith.constant 3 : i32
      %add3A_465 = arith.addi %add3A_463, %add3A_464 : i32
      %dma_start3A_466 = arith.constant 1 : i32
      %dma_start3A_467 = arith.constant 600 : i32
      %dma_start3A_468 = arith.constant 0 : i32
      %dma_start3A_469 = tpu.memref_slice %arg6[%dma_start3A_466, %dma_start3A_467, %dma_start3A_468] : memref<2x800x64xf32, #tpu.memory_space<vmem>> -> memref<1x200x64xf32, #tpu.memory_space<vmem>>
      %dma_start3A_470 = tpu.memref_squeeze %dma_start3A_469 : memref<1x200x64xf32, #tpu.memory_space<vmem>> -> memref<200x64xf32, #tpu.memory_space<vmem>>
      %dma_start3A_471 = arith.constant 0 : i32
      %dma_start3A_472 = arith.constant 0 : i32
      %dma_start3A_473 = tpu.memref_slice %arg4[%add3A_465, %dma_start3A_471, %dma_start3A_472] : memref<4096x200x64xf32, #tpu.memory_space<hbm>> -> memref<1x200x64xf32, #tpu.memory_space<hbm>>
      %dma_start3A_474 = tpu.memref_squeeze %dma_start3A_473 : memref<1x200x64xf32, #tpu.memory_space<hbm>> -> memref<200x64xf32, #tpu.memory_space<hbm>>
      %dma_start3A_475 = arith.constant 0 : i32
      %dma_start3A_476 = arith.constant 0 : i32
      %dma_start3A_477 = tpu.memref_slice %arg4[%add3A_465, %dma_start3A_475, %dma_start3A_476] : memref<4096x200x64xf32, #tpu.memory_space<hbm>> -> memref<1x200x64xf32, #tpu.memory_space<hbm>>
      %dma_start3A_478 = tpu.memref_squeeze %dma_start3A_477 : memref<1x200x64xf32, #tpu.memory_space<hbm>> -> memref<200x64xf32, #tpu.memory_space<hbm>>
      %dma_start3A_479 = arith.constant 600 : i32
      %dma_start3A_480 = arith.constant 0 : i32
      %dma_start3A_481 = tpu.memref_slice %arg6[%dma_start3A_466, %dma_start3A_479, %dma_start3A_480] : memref<2x800x64xf32, #tpu.memory_space<vmem>> -> memref<1x200x64xf32, #tpu.memory_space<vmem>>
      %dma_start3A_482 = tpu.memref_squeeze %dma_start3A_481 : memref<1x200x64xf32, #tpu.memory_space<vmem>> -> memref<200x64xf32, #tpu.memory_space<vmem>>
      tpu.enqueue_dma source(%dma_start3A_482 : memref<200x64xf32, #tpu.memory_space<vmem>>) target(%dma_start3A_478 : memref<200x64xf32, #tpu.memory_space<hbm>>) target_semaphore(%arg9 : memref<!tpu.dma_semaphore, #tpu.memory_space<semaphore_mem>>)
    }
    %scan3A_102 = arith.constant 16 : i32
    %dma_wait3A = arith.constant 0 : i32
    %dma_wait3A_103 = arith.constant 0 : i32
    %dma_wait3A_104 = arith.constant 0 : i32
    %dma_wait3A_105 = tpu.memref_slice %arg6[%dma_wait3A, %dma_wait3A_103, %dma_wait3A_104] : memref<2x800x64xf32, #tpu.memory_space<vmem>> -> memref<1x800x64xf32, #tpu.memory_space<vmem>>
    %dma_wait3A_106 = tpu.memref_squeeze %dma_wait3A_105 : memref<1x800x64xf32, #tpu.memory_space<vmem>> -> memref<800x64xf32, #tpu.memory_space<vmem>>
    %dma_wait3A_107 = arith.constant 0 : i32
    %dma_wait3A_108 = arith.constant 0 : i32
    %dma_wait3A_109 = tpu.memref_slice %arg3[%dma_wait3A_107, %dma_wait3A_108] : memref<1000000x64xf32, #tpu.memory_space<hbm>> -> memref<800x64xf32, #tpu.memory_space<hbm>>
    %dma_wait3A_110 = arith.constant 0 : i32
    %dma_wait3A_111 = arith.constant 0 : i32
    %dma_wait3A_112 = tpu.memref_slice %arg6[%dma_wait3A, %dma_wait3A_110, %dma_wait3A_111] : memref<2x800x64xf32, #tpu.memory_space<vmem>> -> memref<1x800x64xf32, #tpu.memory_space<vmem>>
    %dma_wait3A_113 = tpu.memref_squeeze %dma_wait3A_112 : memref<1x800x64xf32, #tpu.memory_space<vmem>> -> memref<800x64xf32, #tpu.memory_space<vmem>>
    %dma_wait3A_114 = arith.constant 0 : i32
    %dma_wait3A_115 = arith.constant 0 : i32
    %dma_wait3A_116 = tpu.memref_slice %arg3[%dma_wait3A_114, %dma_wait3A_115] : memref<1000000x64xf32, #tpu.memory_space<hbm>> -> memref<800x64xf32, #tpu.memory_space<hbm>>
    tpu.wait_dma2 semaphore(%arg9 : memref<!tpu.dma_semaphore, #tpu.memory_space<semaphore_mem>>) src(%dma_wait3A_116 : memref<800x64xf32, #tpu.memory_space<hbm>>) dst(%dma_wait3A_113 : memref<800x64xf32, #tpu.memory_space<vmem>>)
    %dma_wait3A_117 = arith.constant 0 : i32
    %dma_wait3A_118 = arith.constant 0 : i32
    %dma_wait3A_119 = arith.constant 0 : i32
    %dma_wait3A_120 = tpu.memref_slice %arg6[%dma_wait3A_117, %dma_wait3A_118, %dma_wait3A_119] : memref<2x800x64xf32, #tpu.memory_space<vmem>> -> memref<1x800x64xf32, #tpu.memory_space<vmem>>
    %dma_wait3A_121 = tpu.memref_squeeze %dma_wait3A_120 : memref<1x800x64xf32, #tpu.memory_space<vmem>> -> memref<800x64xf32, #tpu.memory_space<vmem>>
    %dma_wait3A_122 = arith.constant 0 : i32
    %dma_wait3A_123 = arith.constant 0 : i32
    %dma_wait3A_124 = tpu.memref_slice %arg3[%dma_wait3A_122, %dma_wait3A_123] : memref<1000000x64xf32, #tpu.memory_space<hbm>> -> memref<800x64xf32, #tpu.memory_space<hbm>>
    %dma_wait3A_125 = arith.constant 0 : i32
    %dma_wait3A_126 = arith.constant 0 : i32
    %dma_wait3A_127 = tpu.memref_slice %arg6[%dma_wait3A_117, %dma_wait3A_125, %dma_wait3A_126] : memref<2x800x64xf32, #tpu.memory_space<vmem>> -> memref<1x800x64xf32, #tpu.memory_space<vmem>>
    %dma_wait3A_128 = tpu.memref_squeeze %dma_wait3A_127 : memref<1x800x64xf32, #tpu.memory_space<vmem>> -> memref<800x64xf32, #tpu.memory_space<vmem>>
    %dma_wait3A_129 = arith.constant 0 : i32
    %dma_wait3A_130 = arith.constant 0 : i32
    %dma_wait3A_131 = tpu.memref_slice %arg3[%dma_wait3A_129, %dma_wait3A_130] : memref<1000000x64xf32, #tpu.memory_space<hbm>> -> memref<800x64xf32, #tpu.memory_space<hbm>>
    tpu.wait_dma2 semaphore(%arg9 : memref<!tpu.dma_semaphore, #tpu.memory_space<semaphore_mem>>) src(%dma_wait3A_131 : memref<800x64xf32, #tpu.memory_space<hbm>>) dst(%dma_wait3A_128 : memref<800x64xf32, #tpu.memory_space<vmem>>)
    return
  }
}

</mosaic_0001>

<sc_bundles>
// kernel: kernel.3.cloned.1.call-start
scs
__scs_entry_jumppad:
0x0: {  	(pc) =	sbr.rel $0x88, $3  }
0x1: {  	(tag) =	ssettag $0x0;
	lr =	simm.s32 $0x1  }
0x2: {  	[smem:$0x3F9F] =	sst lr;
	_ =	strace $0xD0000000  }
0x3: {  	_ = 	snop  }
0x4: {  	_ = 	snop  }
0x5: {  	_ = 	snop  }
0x6: {  	_ = 	snop  }
0x7: {  	_ = 	snop  }
__scs_overlays_trampoline_lowered:
0x8: {  	[smem:$0x3FAE] =	sst s0  }
0x9: {  	[smem:$0x3FAF] =	sst s1  }
0xa: {  	[smem:$0x3FB0] =	sst s2  }
0xb: {  	[smem:$0x3FB1] =	sst s3  }
0xc: {  	[smem:$0x3FB2] =	sst s4  }
0xd: {  	[smem:$0x3FB3] =	sst s5  }
0xe: {  	[smem:$0x3FB4] =	sst s6  }
0xf: {  	[smem:$0x3FB5] =	sst s7  }
0x10: {  	[smem:$0x3FB6] =	sst s8  }
0x11: {  	[smem:$0x3FB7] =	sst s9;
	s0 =	simm.s32 @!p0 $0x0  }
0x12: {  	s1 =	sld [smem:$0x3F9D];
	s0 =	simm.s32 @p0 $0x1  }
0x13: {  	[smem:$0x3FB8] =	sst s0;
	s0 =	simm.s32 @!p1 $0x0  }
0x14: {  	s2 =	sld [smem:$0x3F9C];
	s0 =	simm.s32 @p1 $0x1  }
0x15: {  	[smem:$0x3FB9] =	sst s0;
	s0 =	simm.s32 @!p2 $0x0  }
0x16: {  	s3 =	sld [smem:$0x3FDB];
	s0 =	simm.s32 @p2 $0x1  }
0x17: {  	s4 =	simm.s32 $0x1BF5;
	[smem:$0x3FBB] =	sst s0  }
0x18: {  	s0 =	sld [smem:$0x3F9E];
	_ =	swait.ge [sflag:s4], $0x0  }
0x19: {  	s7 =	sld [smem:$0x3F9F]  }
0x1a: {  	s8 =	sadd.s32 $0xFFFFE003, lr  }
0x1b: {  	s9 =	sadd.s32 $0xFFFFFEF7, lr;
	s5 =	simm.s32 $0xFFFFFFFF;
	p2 =	slt.u32 s8, $0xFFFFF086  }
0x1c: {  	p1 =	slt.u32 s9, $0xF7A;
	s5 =	simm.s32 @!p2 $0x0  }
0x1d: {  	s5 =	simm.s32 @p1 $0x1;
	p0 =	seq.s32 s7, s2  }
0x1e: {  	s7 =	smul.u32 @!p0 $0xF7A, s2;
	p2 =	seq.s32 @!p0 s5, $0x0  }
0x1f: {  	s9 =	smul.u32 $0xF7A, s1;
	s8 =	simm.s32 @!p0 $0x1BF5;
	p2 =	por !p2, p0  }
0x20: {  	[sflag:s8] =	ssyncset.s32 @!p0 $0xFFFFF086;
	s6 =	sadd.s32 @!p0 s3, s7;
	s7 =	simm.s32 @!p0 $0x108  }
0x21: {  	s3 =	sadd.s32 s3, s9;
	s6 =	sadd.s32 @!p0 $0x88, s6;
	s7 =	simm.s32 @p2 $0x1082  }
0x22: {  	[simem:s7], [sflag:s8] =	dma.local @!p0 [hbm:s6], $0xF7A  }
0x23: {  	s9 =	sor.u32 $0xD0000000, s2;
	s6 =	simm.s32 $0x108;
	_ =	swait.ge @!p0 [sflag:s8], $0x0  }
0x24: {  	s3 =	sadd.s32 $0x88, s3;
	s6 =	simm.s32 @!p1 $0x1082;
	[sflag:s4] =	ssyncset.s32 $0xFFFFF086  }
0x25: {  	[simem:s6], [sflag:s4] =	dma.local [hbm:s3], $0xF7A  }
0x26: {  	[smem:$0x3F9F] =	sst s1;
	(tag) =	ssettag s2;
	_ =	strace s9  }
0x27: {  	s1 =	sld [smem:$0x3FAF]  }
0x28: {  	s2 =	sld [smem:$0x3FB0]  }
0x29: {  	s4 =	sld [smem:$0x3FB2]  }
0x2a: {  	p0 =	seq.s32 s5, $0x0;
	s5 =	sld [smem:$0x3FB3]  }
0x2b: {  	s6 =	sld [smem:$0x3FB4]  }
0x2c: {  	s7 =	sld [smem:$0x3FB5]  }
0x2d: {  	s3 =	simm.s32 $0x108;
	s8 =	sld [smem:$0x3FB6]  }
0x2e: {  	s3 =	simm.s32 @!p0 $0x1082;
	s9 =	sld [smem:$0x3FB7]  }
0x2f: {  	lr =	sadd.s32 s0, s3;
	s0 =	sld [smem:$0x3FAE]  }
0x30: {  	s3 =	sld [smem:$0x3FB1]  }
0x31: {  	[smem:$0x3FBA] =	sst s10  }
0x32: {  	s10 =	sld [smem:$0x3FB8];
	_ =	sdelay $0x3  }
0x33: {  	p0 =	seq.s32 s10, $0x1;
	s10 =	sld [smem:$0x3FBA];
	_ =	sdelay $0x3  }
0x34: {  	[smem:$0x3FBA] =	sst s10  }
0x35: {  	s10 =	sld [smem:$0x3FB9];
	_ =	sdelay $0x3  }
0x36: {  	p1 =	seq.s32 s10, $0x1;
	s10 =	sld [smem:$0x3FBA];
	_ =	sdelay $0x3  }
0x37: {  	[smem:$0x3FBA] =	sst s10  }
0x38: {  	s10 =	sld [smem:$0x3FBB]  }
0x39: {  	_ = 	snop;
	(pc) =	sbr.ind lr, $3  }
0x3a: {  	_ = 	snop  }
0x3b: {  	_ = 	snop  }
0x3c: {  	p2 =	seq.s32 s10, $0x1;
	s10 =	sld [smem:$0x3FBA]  }
0x3d: {  	_ =	shalt  }
0x3e: {  	_ =	shalt  }
0x3f: {  	_ =	shalt  }
0x40: {  	_ =	shalt  }
0x41: {  	_ =	shalt  }
0x42: {  	_ =	shalt  }
0x43: {  	_ =	shalt  }
0x44: {  	_ =	shalt  }
0x45: {  	_ =	shalt  }
0x46: {  	_ =	shalt  }
0x47: {  	_ =	shalt  }
0x48: {  	_ =	shalt  }
0x49: {  	_ =	shalt  }
0x4a: {  	_ =	shalt  }
0x4b: {  	_ =	shalt  }
0x4c: {  	_ =	shalt  }
0x4d: {  	_ =	shalt  }
0x4e: {  	_ =	shalt  }
0x4f: {  	_ =	shalt  }
0x50: {  	_ =	shalt  }
0x51: {  	_ =	shalt  }
0x52: {  	_ =	shalt  }
0x53: {  	_ =	shalt  }
0x54: {  	_ =	shalt  }
0x55: {  	_ =	shalt  }
0x56: {  	_ =	shalt  }
0x57: {  	_ =	shalt  }
0x58: {  	_ =	shalt  }
0x59: {  	_ =	shalt  }
0x5a: {  	_ =	shalt  }
0x5b: {  	_ =	shalt  }
0x5c: {  	_ =	shalt  }
0x5d: {  	_ =	shalt  }
0x5e: {  	_ =	shalt  }
0x5f: {  	_ =	shalt  }
0x60: {  	_ =	shalt  }
0x61: {  	_ =	shalt  }
0x62: {  	_ =	shalt  }
0x63: {  	_ =	shalt  }
0x64: {  	_ =	shalt  }
0x65: {  	_ =	shalt  }
0x66: {  	_ =	shalt  }
0x67: {  	_ =	shalt  }
0x68: {  	_ =	shalt  }
0x69: {  	_ =	shalt  }
0x6a: {  	_ =	shalt  }
0x6b: {  	_ =	shalt  }
0x6c: {  	_ =	shalt  }
0x6d: {  	_ =	shalt  }
0x6e: {  	_ =	shalt  }
0x6f: {  	_ =	shalt  }
0x70: {  	_ =	shalt  }
0x71: {  	_ =	shalt  }
0x72: {  	_ =	shalt  }
0x73: {  	_ =	shalt  }
0x74: {  	_ =	shalt  }
0x75: {  	_ =	shalt  }
0x76: {  	_ =	shalt  }
0x77: {  	_ =	shalt  }
0x78: {  	_ =	shalt  }
0x79: {  	_ =	shalt  }
0x7a: {  	_ =	shalt  }
0x7b: {  	_ =	shalt  }
0x7c: {  	_ =	shalt  }
0x7d: {  	_ =	shalt  }
0x7e: {  	_ =	shalt  }
0x7f: {  	_ =	shalt  }
0x80: {  	_ =	shalt  }
0x81: {  	_ =	shalt  }
0x82: {  	_ =	shalt  }
0x83: {  	_ =	shalt  }
0x84: {  	_ =	shalt  }
0x85: {  	_ =	shalt  }
0x86: {  	_ =	shalt  }
0x87: {  	_ =	shalt  }
.Lfunc_end0:
.L_simem_size_0:
called_computation.1_lowered:
.L_overlay_start_0:
0x88: {  	s2 =	sld [smem:$0x3FD9]  }
0x89: {  	s3 =	sld [smem:$0x3FFE];
	_ =	sdelay $0x1  }
0x8a: {  	s1 =	srdreg.scid  }
0x8b: {  	s0 =	sand.u32 $0x1, s1  }
0x8c: {  	s17 =	sshll.u32 s0, $0xA;
	s2 =	sadd.s32 s3, s2  }
0x8d: {  	s2 =	sadd.s32 s2, s17  }
0x8e: {  	[smem:$0x3FC6] =	sst s2  }
0x8f: {  	_ = 	snop  }
0x90: {  	s2 =	sld [smem:$0x3FD0];
	(tm) =	ssettm $0x1  }
0x91: {  	s18 =	sld [smem:$0x3FFB];
	_ =	sdelay $0x3  }
0x92: {  	_ =	strace s18  }
0x93: {  	s3 =	sld [smem:$0x3FFC];
	_ =	sdelay $0x3  }
0x94: {  	_ =	strace s3  }
0x95: {  	s3 =	sld [smem:$0x3FFD];
	_ =	sdelay $0x3  }
0x96: {  	_ =	strace s3  }
0x97: {  	_ =	strace $0x8FFFFFFF  }
0x98: {  	s19 =	sld [smem:$0x3FDB];
	_ =	sdelay $0x1  }
0x99: {  	s4 =	simm.s32 $_scs_section_size  }
0x9a: {  	s5 =	simm.s32 $_size__tile_overlayer_lowered;
	s6 =	simm.s32 $_tile_overlayer_lowered  }
0x9b: {  	s22 =	simm.s32 $0x1BFF;
	s21 =	sshll.u32 s6, $0x1;
	s3 =	sadd.s32 s4, s19  }
0x9c: {  	s7 =	simm.s32 $0x0;
	s20 =	sshll.u32 s5, $0x1;
	s5 =	sadd.s32 s21, s3  }
0x9d: {  	[timem:s7], [sflag:s22] =	dma.local [hbm:s5], s20  }
0x9e: {  	_ =	swait.ge [sflag:s22], s20  }
0x9f: {  	s4 =	ssub.s32 $0x0, s20;
	[sflag:s22] =	ssyncset.done $0x0  }
0xa0: {  	[sflag:s22] =	ssyncadd.s32 s4;
	_ =	sdelay $0x1  }
0xa1: {  	s23 =	simm.s32 $0x1B8B  }
0xa2: {  	_ =	swait.ge [sflag:s23], $0x1  }
0xa3: {  	[sflag:s23] =	ssyncset.done $0x0  }
0xa4: {  	s25 =	simm.s32 $0x1B8E;
	s24 =	sld [smem:$0x3FFE];
	[sflag:s23] =	ssyncadd.s32 $0xFFFFFFFF  }
0xa5: {  	s26 =	simm.s32 $execute0_lowered;
	[smem:$0x3FD2] =	sst s25  }
0xa6: {  	s5 =	sshll.u32 s26, $0x1;
	_ =	strace $0x80000046;
	[dreg:$0x1] =	wrdreg $0xFFFFFFFF  }
0xa7: {  	s28 =	simm.s32 $_size_execute0_lowered;
	s3 =	sadd.s32 s3, s5;
	[dreg:$0x0] =	wrdreg $0x0  }
0xa8: {  	s5 =	sshll.u32 s28, $0x1;
	[dreg:$0x2] =	wrdreg s3  }
0xa9: {  	[dreg:$0x3] =	wrdreg s5  }
0xaa: {  	[dreg:$0x4] =	wrdreg $0xC0  }
0xab: {  	_ =	task [dreg:s7], $0x5FFFF  }
0xac: {  	[dreg:$0x1] =	wrdreg $0xFFFFFFFF  }
0xad: {  	[dreg:$0x0] =	wrdreg $0x60  }
0xae: {  	[dreg:$0x2] =	wrdreg s24  }
0xaf: {  	[dreg:$0x3] =	wrdreg s2  }
0xb0: {  	[dreg:$0x4] =	wrdreg $0x9  }
0xb1: {  	_ =	task.clear_ibuf [dreg:s7], $0x5FFFF;
	_ =	strace $0x90000046  }
0xb2: {  	s29 =	simm.s32 $0x9;
	_ =	strace $0x80000048  }
0xb3: {  	_ =	swait.ge [sflag:s29], $0x1  }
0xb4: {  	[sflag:s29] =	ssyncadd.s32 $0xFFFFFFFF  }
0xb5: {  	_ =	strace $0x90000048  }
0xb6: {  	_ =	sfence  }
0xb7: {  	s30 =	sld [smem:$0x0];
	_ =	sdelay $0x2  }
0xb8: {  	s31 =	sshll.u32 s1, $0xD;
	s1 =	sshrl.u32 s1, $0x2  }
0xb9: {  	s3 =	sand.u32 $0x4000, s31;
	s1 =	sadd.s32 s1, s30  }
0xba: {  	s0 =	sor.u32 s3, s0;
	s1 =	sshll.u32 s1, $0x11  }
0xbb: {  	s0 =	sor.u32 s1, s0  }
0xbc: {  	s0 =	sadd.s32 $0x8F2B, s0  }
0xbd: {  	[sflag:s0] =	ssyncadd.remote.s32 $0x1  }
0xbe: {  	_ =	sfence.sel $0xFFFF  }
0xbf: {  	[dreg:$0x0] =	wrdreg $0xFFFFFFFF;
	(pc) =	sbr.abs _section_cstart, $3  }
0xc0: {  	[dreg:$0x1] =	wrdreg $0xFFFFFFFF  }
0xc1: {  	_ =	task.clear_ibuf [dreg:s7], $0x2FFFF;
	_ =	strace $0x9FFFFFFF  }
0xc2: {  	(tm) =	ssettm $0x7FFFFFFF  }
0xc3: {  	_ =	shalt  }
tec
execute0_lowered:
.L_overlay_start_1:
0x0: {  	(tag) =	ssettag $0x1  }
0x1: {  	s0 =	srdreg.scid  }
0x2: {  	s2 =	stileid.u32;
	s1 =	rddreg [dreg:$0x0]  }
0x3: {  	s8 =	simm.s32 $0x4;
	s9 =	simm.s32 $0x68;
	s10 =	simm.s32 $0x6400  }
0x4: {  	s11 =	simm.s32 $0x60;
	s14 =	simm.s32 $0x9600;
	s18 =	simm.s32 $0xC800  }
0x5: {  	s22 =	simm.s32 $0xFA00;
	s25 =	simm.s32 $0x12C00;
	s28 =	simm.s32 $0x15E00  }
0x6: {  	s29 =	simm.s32 $0x17800;
	s30 =	simm.s32 $0x19000;
	s31 =	simm.s32 $0x1AA00  }
0x7: {  	s12 =	simm.s32 $0x1;
	s13 =	simm.s32 $0x2;
	s0 =	sand.u32 $0x1, s0  }
0x8: {  	s15 =	simm.s32 $0x3;
	s3 =	sshll.u32 s2, $0x8;
	s4 =	sshll.u32 s0, $0x7  }
0x9: {  	s2 =	rddreg [dreg:$0x1];
	s0 =	ssub.s32 $0x2, s0;
	s3 =	sor.u32 s4, s3  }
0xa: {  	s4 =	simm.s32 $0x0;
	s7 =	sshrl.u32 s0, $0x1;
	s5 =	smul.u32 $0x19, s3  }
0xb: {  	s16 =	simm.s32 $0x0;
	[smem:$0x7FF] =	sst s4;
	s0 =	ssub.s32 s0, s7  }
0xc: {  	_ =	strace $0x80000047;
	s7 =	smax.u32 s0, $0x1;
	s6 =	sadd.s32 s5, s1  }
0xd: {  	s0 =	simm.s32 $0x1DC00;
	s5 =	sadd.s32 $0xF42E00, s1;
	s26 =	sadd.s32 $0xA00, s6  }
0xe: {  	s1 =	simm.s32 $0x1C200;
	[dreg:$0x3] =	wrdreg s26;
	s26 =	simm.s32 $0x14600  }
.LBB2_1:
0xf: {  	s6 =	rddreg [dreg:$0x3]  }
0x10: {  	[tilespmem:s4], [sflag:$0x4] =	stream.linear.gather [hbm4b:s6+s4], $0x6400, $0x38;
	[tilespmem:$0x1F400] =	vst v63  }
0x11: {  	_ =	swait.ge [sflag:s8], $0x6400  }
0x12: {  	[sflag:s8] =	ssyncset.done $0x0  }
0x13: {  	[sflag:s8] =	ssyncadd.s32 $0xFFFF9C00  }
0x14: {  	[tilespmem:s10], [sflag:$0x1] =	stream.indirect.gather [hbm4b:s5+s9], $0x40, s4, s9, $0xb8;
	[tilespmem:$0x1F400] =	vst v63  }
0x15: {  	s21 =	simm.s32 $0x7E00  }
0x16: {  	[tilespmem:s21], [sflag:$0x1] =	stream.indirect.gather [hbm4b:s5+s11], $0x40, s9, s11, $0xb8;
	[tilespmem:$0x1F400] =	vst v63  }
0x17: {  	s23 =	simm.s32 $0xC8  }
0x18: {  	[tilespmem:s14], [sflag:$0x1] =	stream.indirect.gather [hbm4b:s5+s9], $0x40, s23, s9, $0xb8;
	[tilespmem:$0x1F400] =	vst v63  }
0x19: {  	s24 =	simm.s32 $0x130;
	s17 =	simm.s32 $0xB000  }
0x1a: {  	[tilespmem:s17], [sflag:$0x1] =	stream.indirect.gather [hbm4b:s5+s11], $0x40, s24, s11, $0xb8;
	[tilespmem:$0x1F400] =	vst v63  }
0x1b: {  	s17 =	simm.s32 $0x190  }
0x1c: {  	[tilespmem:s18], [sflag:$0x1] =	stream.indirect.gather [hbm4b:s5+s9], $0x40, s17, s9, $0xb8;
	[tilespmem:$0x1F400] =	vst v63  }
0x1d: {  	s19 =	simm.s32 $0x1F8;
	s20 =	simm.s32 $0xE200  }
0x1e: {  	[tilespmem:s20], [sflag:$0x1] =	stream.indirect.gather [hbm4b:s5+s11], $0x40, s19, s11, $0xb8;
	[tilespmem:$0x1F400] =	vst v63  }
0x1f: {  	s21 =	simm.s32 $0x258  }
0x20: {  	[tilespmem:s22], [sflag:$0x1] =	stream.indirect.gather [hbm4b:s5+s9], $0x40, s21, s9, $0xb8;
	[tilespmem:$0x1F400] =	vst v63  }
0x21: {  	s23 =	simm.s32 $0x2C0;
	s24 =	simm.s32 $0x11400;
	s17 =	simm.s32 $0x0  }
0x22: {  	[tilespmem:s24], [sflag:$0x1] =	stream.indirect.gather [hbm4b:s5+s11], $0x40, s23, s11, $0xb8;
	[tilespmem:$0x1F400] =	vst v63  }
.LBB2_2:
0x23: {  	p0 =	seq.s32 s17, $0x0;
	s21 =	sshll.u32 s17, $0x3  }
0x24: {  	s20 =	simm.s32 @!p0 $0x3;
	s19 =	sor.u32 $0x4, s21  }
0x25: {  	_ =	swait.ge @!p0 [sflag:s20], $0xC800;
	s23 =	smul.u32 $0x320, s19  }
0x26: {  	[sflag:s20] =	ssyncset.done @!p0 $0x0  }
0x27: {  	[sflag:s20] =	ssyncadd.s32 @!p0 $0xFFFF3800;
	s24 =	sshra.s32 s23, $0x2  }
0x28: {  	[tilespmem:s25], [sflag:$0x2] =	stream.indirect.gather [hbm4b:s5+s9], $0x40, s24, s9, $0xb8;
	[tilespmem:$0x1F400] =	vst v63  }
0x29: {  	s6 =	smul.u32 $0x1900, s17;
	s20 =	sadd.s32 $0x68, s24  }
0x2a: {  	[tilespmem:s26], [sflag:$0x2] =	stream.indirect.gather [hbm4b:s5+s11], $0x40, s20, s11, $0xb8;
	[tilespmem:$0x1F400] =	vst v63  }
0x2b: {  	s20 =	sshra.s32 s6, $0x2  }
0x2c: {  	s23 =	sadd.s32 $0x3E8, s20  }
0x2d: {  	[tilespmem:s28], [sflag:$0x2] =	stream.indirect.gather [hbm4b:s5+s9], $0x40, s23, s9, $0xb8;
	[tilespmem:$0x1F400] =	vst v63  }
0x2e: {  	s24 =	sadd.s32 $0x450, s20  }
0x2f: {  	[tilespmem:s29], [sflag:$0x2] =	stream.indirect.gather [hbm4b:s5+s11], $0x40, s24, s11, $0xb8;
	[tilespmem:$0x1F400] =	vst v63  }
0x30: {  	s6 =	sadd.s32 $0x4B0, s20  }
0x31: {  	[tilespmem:s30], [sflag:$0x2] =	stream.indirect.gather [hbm4b:s5+s9], $0x40, s6, s9, $0xb8;
	[tilespmem:$0x1F400] =	vst v63  }
0x32: {  	s24 =	sadd.s32 $0x518, s20  }
0x33: {  	[tilespmem:s31], [sflag:$0x2] =	stream.indirect.gather [hbm4b:s5+s11], $0x40, s24, s11, $0xb8;
	[tilespmem:$0x1F400] =	vst v63  }
0x34: {  	s6 =	sadd.s32 $0x578, s20  }
0x35: {  	[tilespmem:s1], [sflag:$0x2] =	stream.indirect.gather [hbm4b:s5+s9], $0x40, s6, s9, $0xb8;
	[tilespmem:$0x1F400] =	vst v63  }
0x36: {  	s24 =	sadd.s32 $0x5E0, s20  }
0x37: {  	[tilespmem:s0], [sflag:$0x2] =	stream.indirect.gather [hbm4b:s5+s11], $0x40, s24, s11, $0xb8;
	[tilespmem:$0x1F400] =	vst v63  }
0x38: {  	_ =	swait.ge [sflag:s12], $0xC800  }
0x39: {  	[sflag:s12] =	ssyncset.done $0x0  }
0x3a: {  	s23 =	simm.s32 $0x0;
	[sflag:s12] =	ssyncadd.s32 $0xFFFF3800  }
0x3b: {  	v0 =	vld [tilespmem:s23+$0x6400]  }
0x3c: {  	v1 =	vld [tilespmem:s23+$0x6410]  }
0x3d: {  	v2 =	vld [tilespmem:s23+$0x6420]  }
0x3e: {  	v3 =	vld [tilespmem:s23+$0x6430]  }
0x3f: {  	v4 =	vld [tilespmem:s23+$0x6440]  }
0x40: {  	v5 =	vld [tilespmem:s23+$0x6450];
	v0 =	vmul.f32 $8.000000000e+00, v0  }
0x41: {  	v6 =	vld [tilespmem:s23+$0x6460];
	v1 =	vmul.f32 $8.000000000e+00, v1  }
0x42: {  	v7 =	vld [tilespmem:s23+$0x6470];
	[tilespmem:s23+$0x6400] =	vst v0;
	v0 =	vmul.f32 $8.000000000e+00, v2  }
0x43: {  	v8 =	vld [tilespmem:s23+$0x6480];
	[tilespmem:s23+$0x6410] =	vst v1;
	v1 =	vmul.f32 $8.000000000e+00, v3  }
0x44: {  	v9 =	vld [tilespmem:s23+$0x6490];
	[tilespmem:s23+$0x6420] =	vst v0;
	v0 =	vmul.f32 $8.000000000e+00, v4  }
0x45: {  	v2 =	vmul.f32 $8.000000000e+00, v5;
	[tilespmem:s23+$0x6430] =	vst v1;
	v1 =	vld [tilespmem:s23+$0x64A0]  }
0x46: {  	v3 =	vmul.f32 $8.000000000e+00, v6;
	[tilespmem:s23+$0x6440] =	vst v0;
	v0 =	vld [tilespmem:s23+$0x64B0]  }
0x47: {  	[tilespmem:s23+$0x6450] =	vst v2;
	v2 =	vld [tilespmem:s23+$0x64C0];
	v4 =	vmul.f32 $8.000000000e+00, v7  }
0x48: {  	v6 =	vmul.f32 $8.000000000e+00, v8;
	[tilespmem:s23+$0x6460] =	vst v3;
	v3 =	vld [tilespmem:s23+$0x64D0]  }
0x49: {  	s24 =	simm.s32 $0x400;
	v5 =	vmul.f32 $8.000000000e+00, v9;
	[tilespmem:s23+$0x6470] =	vst v4;
	v4 =	vld [tilespmem:s23+$0x64E0]  }
.LBB2_3:
0x4a: {  	s6 =	sshra.s32 s24, $0x2;
	p0 =	sne.s32 s24, $0x31C00;
	[tilespmem:s23+$0x6480] =	vst v6;
	v1 =	vmul.f32 $8.000000000e+00, v1;
	v6 =	vld [tilespmem:s23+$0x64F0]  }
0x4b: {  	v7 =	vld [tilespmem:s6+$0x6400];
	[tilespmem:s23+$0x6490] =	vst v5;
	v0 =	vmul.f32 $8.000000000e+00, v0  }
0x4c: {  	v5 =	vld [tilespmem:s6+$0x6410];
	[tilespmem:s23+$0x64A0] =	vst v1;
	v1 =	vmul.f32 $8.000000000e+00, v2  }
0x4d: {  	v2 =	vld [tilespmem:s6+$0x6420];
	[tilespmem:s23+$0x64B0] =	vst v0;
	v0 =	vmul.f32 $8.000000000e+00, v3  }
0x4e: {  	v3 =	vld [tilespmem:s6+$0x6430];
	[tilespmem:s23+$0x64C0] =	vst v1;
	v1 =	vmul.f32 $8.000000000e+00, v4  }
0x4f: {  	v4 =	vld [tilespmem:s6+$0x6440];
	[tilespmem:s23+$0x64D0] =	vst v0;
	v0 =	vmul.f32 $8.000000000e+00, v6  }
0x50: {  	v6 =	vmul.f32 $8.000000000e+00, v7;
	v7 =	vld [tilespmem:s6+$0x6450];
	[tilespmem:s23+$0x64E0] =	vst v1  }
0x51: {  	v1 =	vmul.f32 $8.000000000e+00, v5;
	v5 =	vld [tilespmem:s6+$0x6460];
	[tilespmem:s23+$0x64F0] =	vst v0;
	s23 =	smov.u32 s6  }
0x52: {  	[tilespmem:s23+$0x6400] =	vst v6;
	v0 =	vmul.f32 $8.000000000e+00, v2;
	v2 =	vld [tilespmem:s23+$0x6470]  }
0x53: {  	[tilespmem:s23+$0x6410] =	vst v1;
	v1 =	vmul.f32 $8.000000000e+00, v3;
	v3 =	vld [tilespmem:s23+$0x6480]  }
0x54: {  	[tilespmem:s23+$0x6420] =	vst v0;
	v0 =	vmul.f32 $8.000000000e+00, v4;
	v4 =	vld [tilespmem:s23+$0x6490]  }
.Ltmp0:
0x55: {  	[tilespmem:s23+$0x6430] =	vst v1;
	v6 =	vmul.f32 $8.000000000e+00, v7;
	v1 =	vld [tilespmem:s23+$0x64A0];
	(pc) =	sbr.rel @p0 .LBB2_3-.Ltmp0, $4  }
0x56: {  	[tilespmem:s23+$0x6440] =	vst v0;
	v5 =	vmul.f32 $8.000000000e+00, v5;
	v0 =	vld [tilespmem:s23+$0x64B0]  }
0x57: {  	[tilespmem:s23+$0x6450] =	vst v6;
	v7 =	vmul.f32 $8.000000000e+00, v2;
	v2 =	vld [tilespmem:s23+$0x64C0]  }
0x58: {  	[tilespmem:s23+$0x6460] =	vst v5;
	v6 =	vmul.f32 $8.000000000e+00, v3;
	v3 =	vld [tilespmem:s23+$0x64D0]  }
0x59: {  	s24 =	sadd.s32 $0x400, s24;
	[tilespmem:s23+$0x6470] =	vst v7;
	v5 =	vmul.f32 $8.000000000e+00, v4;
	v4 =	vld [tilespmem:s23+$0x64E0]  }
0x5a: {  	[tilespmem:s23+$0x6480] =	vst v6;
	v1 =	vmul.f32 $8.000000000e+00, v1;
	v6 =	vld [tilespmem:s23+$0x64F0]  }
0x5b: {  	[tilespmem:s23+$0x6490] =	vst v5;
	v0 =	vmul.f32 $8.000000000e+00, v0  }
0x5c: {  	s6 =	sor.u32 s3, s21;
	[tilespmem:s23+$0x64A0] =	vst v1;
	v1 =	vmul.f32 $8.000000000e+00, v2  }
0x5d: {  	s21 =	smul.u32 $0x640, s6;
	[tilespmem:s23+$0x64B0] =	vst v0;
	v0 =	vmul.f32 $8.000000000e+00, v3  }
0x5e: {  	s6 =	smul.u32 $0x3200, s6;
	[tilespmem:s23+$0x64C0] =	vst v1;
	v1 =	vmul.f32 $8.000000000e+00, v4  }
0x5f: {  	[tilespmem:s23+$0x64D0] =	vst v0;
	v0 =	vmul.f32 $8.000000000e+00, v6  }
0x60: {  	s6 =	sshrl.u32 s6, $0x3;
	[tilespmem:s23+$0x64E0] =	vst v1  }
0x61: {  	s21 =	sadd.s32 s2, s21;
	s6 =	sadd.s32 s2, s6;
	[tilespmem:s23+$0x64F0] =	vst v0  }
0x62: {  	[hbm4b:s21+s4] =	stream.linear.scatter [tilespmem:s10], [sflag:$0x3], $0x3200, $0x38;
	[tilespmem:$0x1F400] =	vst v63  }
0x63: {  	s23 =	sadd.s32 $0x640, s6  }
0x64: {  	[hbm4b:s23+s4] =	stream.linear.scatter [tilespmem:s14], [sflag:$0x3], $0x3200, $0x38;
	[tilespmem:$0x1F400] =	vst v63  }
0x65: {  	s24 =	sadd.s32 $0xC80, s6  }
0x66: {  	[hbm4b:s24+s4] =	stream.linear.scatter [tilespmem:s18], [sflag:$0x3], $0x3200, $0x38;
	[tilespmem:$0x1F400] =	vst v63  }
0x67: {  	p0 =	seq.s32 s17, $0xF;
	s6 =	sadd.s32 $0x12C0, s6  }
0x68: {  	[hbm4b:s6+s4] =	stream.linear.scatter [tilespmem:s22], [sflag:$0x3], $0x3200, $0x38;
	[tilespmem:$0x1F400] =	vst v63  }
0x69: {  	s6 =	simm.s32 @!p0 $0x3  }
0x6a: {  	_ =	swait.ge @!p0 [sflag:s6], $0xC800  }
0x6b: {  	s21 =	simm.s32 @!p0 $0x68;
	[sflag:s6] =	ssyncset.done @!p0 $0x0  }
0x6c: {  	s23 =	simm.s32 @!p0 $0x6400;
	[sflag:s6] =	ssyncadd.s32 @!p0 $0xFFFF3800;
	s6 =	sadd.s32 @!p0 $0x640, s20  }
0x6d: {  	[tilespmem:s23], [sflag:$0x1] =	stream.indirect.gather @!p0 [hbm4b:s5+s21], $0x40, s6, s21, $0xb8;
	[tilespmem:$0x1F400] =	vst v63  }
0x6e: {  	s24 =	simm.s32 @!p0 $0x7E00;
	s6 =	sadd.s32 @!p0 $0x6A8, s20;
	s23 =	simm.s32 @!p0 $0x60  }
0x6f: {  	[tilespmem:s24], [sflag:$0x1] =	stream.indirect.gather @!p0 [hbm4b:s5+s23], $0x40, s6, s23, $0xb8;
	[tilespmem:$0x1F400] =	vst v63  }
0x70: {  	s6 =	sadd.s32 @!p0 $0x708, s20;
	s24 =	simm.s32 @!p0 $0x9600  }
0x71: {  	[tilespmem:s24], [sflag:$0x1] =	stream.indirect.gather @!p0 [hbm4b:s5+s21], $0x40, s6, s21, $0xb8;
	[tilespmem:$0x1F400] =	vst v63  }
0x72: {  	s6 =	sadd.s32 @!p0 $0x770, s20;
	s24 =	simm.s32 @!p0 $0xB000  }
0x73: {  	[tilespmem:s24], [sflag:$0x1] =	stream.indirect.gather @!p0 [hbm4b:s5+s23], $0x40, s6, s23, $0xb8;
	[tilespmem:$0x1F400] =	vst v63  }
0x74: {  	s6 =	sadd.s32 @!p0 $0x7D0, s20;
	s24 =	simm.s32 @!p0 $0xC800  }
0x75: {  	[tilespmem:s24], [sflag:$0x1] =	stream.indirect.gather @!p0 [hbm4b:s5+s21], $0x40, s6, s21, $0xb8;
	[tilespmem:$0x1F400] =	vst v63  }
0x76: {  	s6 =	sadd.s32 @!p0 $0x838, s20;
	s24 =	simm.s32 @!p0 $0xE200  }
0x77: {  	[tilespmem:s24], [sflag:$0x1] =	stream.indirect.gather @!p0 [hbm4b:s5+s23], $0x40, s6, s23, $0xb8;
	[tilespmem:$0x1F400] =	vst v63  }
0x78: {  	s6 =	sadd.s32 @!p0 $0x898, s20;
	s24 =	simm.s32 @!p0 $0xFA00  }
0x79: {  	[tilespmem:s24], [sflag:$0x1] =	stream.indirect.gather @!p0 [hbm4b:s5+s21], $0x40, s6, s21, $0xb8;
	[tilespmem:$0x1F400] =	vst v63  }
0x7a: {  	s6 =	sadd.s32 @!p0 $0x900, s20;
	s20 =	simm.s32 @!p0 $0x11400  }
0x7b: {  	[tilespmem:s20], [sflag:$0x1] =	stream.indirect.gather @!p0 [hbm4b:s5+s23], $0x40, s6, s23, $0xb8;
	[tilespmem:$0x1F400] =	vst v63  }
0x7c: {  	_ =	swait.ge [sflag:s13], $0xC800  }
0x7d: {  	[sflag:s13] =	ssyncset.done $0x0  }
0x7e: {  	s20 =	simm.s32 $0x0;
	[sflag:s13] =	ssyncadd.s32 $0xFFFF3800  }
0x7f: {  	v0 =	vld [tilespmem:s20+$0x12C00]  }
0x80: {  	v1 =	vld [tilespmem:s20+$0x12C10]  }
0x81: {  	v2 =	vld [tilespmem:s20+$0x12C20]  }
0x82: {  	v3 =	vld [tilespmem:s20+$0x12C30]  }
0x83: {  	v4 =	vld [tilespmem:s20+$0x12C40]  }
0x84: {  	v5 =	vld [tilespmem:s20+$0x12C50];
	v0 =	vmul.f32 $8.000000000e+00, v0  }
0x85: {  	v6 =	vld [tilespmem:s20+$0x12C60];
	v1 =	vmul.f32 $8.000000000e+00, v1  }
0x86: {  	v7 =	vld [tilespmem:s20+$0x12C70];
	[tilespmem:s20+$0x12C00] =	vst v0;
	v0 =	vmul.f32 $8.000000000e+00, v2  }
0x87: {  	v8 =	vld [tilespmem:s20+$0x12C80];
	[tilespmem:s20+$0x12C10] =	vst v1;
	v1 =	vmul.f32 $8.000000000e+00, v3  }
0x88: {  	v9 =	vld [tilespmem:s20+$0x12C90];
	[tilespmem:s20+$0x12C20] =	vst v0;
	v0 =	vmul.f32 $8.000000000e+00, v4  }
0x89: {  	v2 =	vmul.f32 $8.000000000e+00, v5;
	[tilespmem:s20+$0x12C30] =	vst v1;
	v1 =	vld [tilespmem:s20+$0x12CA0]  }
0x8a: {  	v3 =	vmul.f32 $8.000000000e+00, v6;
	[tilespmem:s20+$0x12C40] =	vst v0;
	v0 =	vld [tilespmem:s20+$0x12CB0]  }
0x8b: {  	[tilespmem:s20+$0x12C50] =	vst v2;
	v2 =	vld [tilespmem:s20+$0x12CC0];
	v4 =	vmul.f32 $8.000000000e+00, v7  }
0x8c: {  	v6 =	vmul.f32 $8.000000000e+00, v8;
	[tilespmem:s20+$0x12C60] =	vst v3;
	v3 =	vld [tilespmem:s20+$0x12CD0]  }
0x8d: {  	s21 =	simm.s32 $0x400;
	v5 =	vmul.f32 $8.000000000e+00, v9;
	[tilespmem:s20+$0x12C70] =	vst v4;
	v4 =	vld [tilespmem:s20+$0x12CE0]  }
.LBB2_5:
0x8e: {  	s6 =	sshra.s32 s21, $0x2;
	p0 =	sne.s32 s21, $0x31C00;
	[tilespmem:s20+$0x12C80] =	vst v6;
	v1 =	vmul.f32 $8.000000000e+00, v1;
	v6 =	vld [tilespmem:s20+$0x12CF0]  }
0x8f: {  	v7 =	vld [tilespmem:s6+$0x12C00];
	[tilespmem:s20+$0x12C90] =	vst v5;
	v0 =	vmul.f32 $8.000000000e+00, v0  }
0x90: {  	v5 =	vld [tilespmem:s6+$0x12C10];
	[tilespmem:s20+$0x12CA0] =	vst v1;
	v1 =	vmul.f32 $8.000000000e+00, v2  }
0x91: {  	v2 =	vld [tilespmem:s6+$0x12C20];
	[tilespmem:s20+$0x12CB0] =	vst v0;
	v0 =	vmul.f32 $8.000000000e+00, v3  }
0x92: {  	v3 =	vld [tilespmem:s6+$0x12C30];
	[tilespmem:s20+$0x12CC0] =	vst v1;
	v1 =	vmul.f32 $8.000000000e+00, v4  }
0x93: {  	v4 =	vld [tilespmem:s6+$0x12C40];
	[tilespmem:s20+$0x12CD0] =	vst v0;
	v0 =	vmul.f32 $8.000000000e+00, v6  }
0x94: {  	v6 =	vmul.f32 $8.000000000e+00, v7;
	v7 =	vld [tilespmem:s6+$0x12C50];
	[tilespmem:s20+$0x12CE0] =	vst v1  }
0x95: {  	v1 =	vmul.f32 $8.000000000e+00, v5;
	v5 =	vld [tilespmem:s6+$0x12C60];
	[tilespmem:s20+$0x12CF0] =	vst v0;
	s20 =	smov.u32 s6  }
0x96: {  	[tilespmem:s20+$0x12C00] =	vst v6;
	v0 =	vmul.f32 $8.000000000e+00, v2;
	v2 =	vld [tilespmem:s20+$0x12C70]  }
0x97: {  	[tilespmem:s20+$0x12C10] =	vst v1;
	v1 =	vmul.f32 $8.000000000e+00, v3;
	v3 =	vld [tilespmem:s20+$0x12C80]  }
0x98: {  	[tilespmem:s20+$0x12C20] =	vst v0;
	v0 =	vmul.f32 $8.000000000e+00, v4;
	v4 =	vld [tilespmem:s20+$0x12C90]  }
.Ltmp1:
0x99: {  	[tilespmem:s20+$0x12C30] =	vst v1;
	v6 =	vmul.f32 $8.000000000e+00, v7;
	v1 =	vld [tilespmem:s20+$0x12CA0];
	(pc) =	sbr.rel @p0 .LBB2_5-.Ltmp1, $4  }
0x9a: {  	[tilespmem:s20+$0x12C40] =	vst v0;
	v5 =	vmul.f32 $8.000000000e+00, v5;
	v0 =	vld [tilespmem:s20+$0x12CB0]  }
0x9b: {  	[tilespmem:s20+$0x12C50] =	vst v6;
	v7 =	vmul.f32 $8.000000000e+00, v2;
	v2 =	vld [tilespmem:s20+$0x12CC0]  }
0x9c: {  	[tilespmem:s20+$0x12C60] =	vst v5;
	v6 =	vmul.f32 $8.000000000e+00, v3;
	v3 =	vld [tilespmem:s20+$0x12CD0]  }
0x9d: {  	s21 =	sadd.s32 $0x400, s21;
	[tilespmem:s20+$0x12C70] =	vst v7;
	v5 =	vmul.f32 $8.000000000e+00, v4;
	v4 =	vld [tilespmem:s20+$0x12CE0]  }
0x9e: {  	[tilespmem:s20+$0x12C80] =	vst v6;
	v1 =	vmul.f32 $8.000000000e+00, v1;
	v59 =	vld [tilespmem:s20+$0x12CF0]  }
0x9f: {  	[tilespmem:s20+$0x12C90] =	vst v5;
	v0 =	vmul.f32 $8.000000000e+00, v0  }
0xa0: {  	s6 =	sor.u32 s3, s19;
	[tilespmem:s20+$0x12CA0] =	vst v1;
	v60 =	vmul.f32 $8.000000000e+00, v2  }
0xa1: {  	s19 =	smul.u32 $0x640, s6;
	[tilespmem:s20+$0x12CB0] =	vst v0;
	v61 =	vmul.f32 $8.000000000e+00, v3  }
0xa2: {  	s6 =	smul.u32 $0x3200, s6;
	[tilespmem:s20+$0x12CC0] =	vst v60;
	v62 =	vmul.f32 $8.000000000e+00, v4  }
0xa3: {  	[tilespmem:s20+$0x12CD0] =	vst v61;
	v63 =	vmul.f32 $8.000000000e+00, v59  }
0xa4: {  	s6 =	sshrl.u32 s6, $0x3;
	[tilespmem:s20+$0x12CE0] =	vst v62  }
0xa5: {  	s17 =	sadd.s32 $0x1, s17;
	s19 =	sadd.s32 s2, s19;
	s6 =	sadd.s32 s2, s6;
	[tilespmem:s20+$0x12CF0] =	vst v63  }
0xa6: {  	[hbm4b:s19+s4] =	stream.linear.scatter [tilespmem:s25], [sflag:$0x3], $0x3200, $0x38;
	[tilespmem:$0x1F400] =	vst v63  }
0xa7: {  	p0 =	sne.s32 s17, $0x10;
	s23 =	sadd.s32 $0x640, s6  }
0xa8: {  	[hbm4b:s23+s4] =	stream.linear.scatter [tilespmem:s28], [sflag:$0x3], $0x3200, $0x38;
	[tilespmem:$0x1F400] =	vst v63  }
.Ltmp2:
0xa9: {  	_ = 	snop;
	(pc) =	sbr.rel @p0 .LBB2_2-.Ltmp2, $4  }
0xaa: {  	s24 =	sadd.s32 $0xC80, s6  }
0xab: {  	[hbm4b:s24+s4] =	stream.linear.scatter [tilespmem:s30], [sflag:$0x3], $0x3200, $0x38;
	[tilespmem:$0x1F400] =	vst v63  }
0xac: {  	s6 =	sadd.s32 $0x12C0, s6  }
0xad: {  	[hbm4b:s6+s4] =	stream.linear.scatter [tilespmem:s1], [sflag:$0x3], $0x3200, $0x38;
	[tilespmem:$0x1F400] =	vst v63  }
0xae: {  	s16 =	sadd.s32 $0x1, s16  }
0xaf: {  	_ =	swait.ge [sflag:s15], $0xC800;
	p0 =	sne.s32 s16, s7  }
.Ltmp3:
0xb0: {  	[sflag:s15] =	ssyncset.done $0x0;
	(pc) =	sbr.rel @p0 .LBB2_1-.Ltmp3, $4  }
0xb1: {  	[sflag:s15] =	ssyncadd.s32 $0xFFFF3800  }
0xb2: {  	_ =	swait.ge [sflag:s15], $0xC800  }
0xb3: {  	[sflag:s15] =	ssyncset.done $0x0  }
0xb4: {  	[sflag:s15] =	ssyncadd.s32 $0xFFFF3800  }
0xb5: {  	_ =	sfence.sel $0x180000  }
0xb6: {  	[bflag:$0x0] =	sbarrier.arrive $0xFFFF  }
0xb7: {  	_ =	strace $0x90000047  }
0xb8: {  	s0 =	stileid.u32;
	[bflag:$0x2] =	sbarrier.arrive $0xFFFF  }
0xb9: {  	p0 =	sne.s32 s0, $0x0;
	s0 =	rddreg [dreg:$0x2]  }
0xba: {  	s0 =	sadd.s32 @!p0 $0x100000, s0  }
0xbb: {  	[sflag:s0] =	ssyncadd.tile.s32 @!p0 $0x1;
	_ =	shalt  }
.Lfunc_end2:
_tile_overlayer_lowered:
.L_overlay_start_2:
0xbc: {  	(tag) =	ssettag $0x2  }
0xbd: {  	s0 =	rddreg [dreg:$0x0];
	s2 =	stileid.u32  }
0xbe: {  	s1 =	rddreg [dreg:$0x1];
	p0 =	sne.s32 s2, $0x0  }
0xbf: {  	s3 =	rddreg [dreg:$0x2];
	[bflag:$0x3] =	sbarrier.arrive $0xFFFF;
	s2 =	simm.s32 @!p0 $0x1C04  }
0xc0: {  	[timem:s3], [sflag:s2] =	dma.local @!p0 [hbm:s0], s1  }
0xc1: {  	s0 =	simm.s32 @!p0 $0x4  }
0xc2: {  	_ =	swait.ge @!p0 [sflag:s0], s1  }
0xc3: {  	s1 =	ssub.s32 @!p0 $0x0, s1;
	[sflag:s0] =	ssyncset.done @!p0 $0x0  }
0xc4: {  	[sflag:s0] =	ssyncadd.s32 @!p0 s1  }
0xc5: {  	[bflag:$0x3] =	sbarrier.arrive $0xFFFF  }
0xc6: {  	_ =	shalt  }

// kernel: sparse-core-data-format-call.cloned.1.call-start
scs
called_computation_lowered:
.L_overlay_start_0:
0x0: {  	s2 =	sld [smem:$0x3FD9]  }
0x1: {  	s3 =	sld [smem:$0x3FFE];
	_ =	sdelay $0x1  }
0x2: {  	s1 =	srdreg.scid  }
0x3: {  	s0 =	sand.u32 $0x1, s1  }
0x4: {  	s18 =	sshll.u32 s0, $0xA;
	s2 =	sadd.s32 s3, s2  }
0x5: {  	s2 =	sadd.s32 s2, s18  }
0x6: {  	[smem:$0x3FC6] =	sst s2  }
0x7: {  	_ = 	snop  }
0x8: {  	s2 =	sld [smem:$0x3FD0];
	(tm) =	ssettm $0x1  }
0x9: {  	s19 =	sld [smem:$0x3FFB];
	_ =	sdelay $0x3  }
0xa: {  	_ =	strace s19  }
0xb: {  	s3 =	sld [smem:$0x3FFC];
	_ =	sdelay $0x3  }
0xc: {  	_ =	strace s3  }
0xd: {  	s3 =	sld [smem:$0x3FFD];
	_ =	sdelay $0x3  }
0xe: {  	_ =	strace s3  }
0xf: {  	_ =	strace $0x8FFFFFFF  }
0x10: {  	s20 =	sld [smem:$0x3FDB];
	_ =	sdelay $0x1  }
0x11: {  	s4 =	simm.s32 $_scs_section_size  }
0x12: {  	s5 =	simm.s32 $_size__tile_overlayer_lowered;
	s6 =	simm.s32 $_tile_overlayer_lowered  }
0x13: {  	s23 =	simm.s32 $0x1BFF;
	s22 =	sshll.u32 s6, $0x1;
	s3 =	sadd.s32 s4, s20  }
0x14: {  	s7 =	simm.s32 $0x0;
	s21 =	sshll.u32 s5, $0x1;
	s5 =	sadd.s32 s22, s3  }
0x15: {  	[timem:s7], [sflag:s23] =	dma.local [hbm:s5], s21  }
0x16: {  	_ =	swait.ge [sflag:s23], s21  }
0x17: {  	s4 =	ssub.s32 $0x0, s21;
	[sflag:s23] =	ssyncset.done $0x0  }
0x18: {  	[sflag:s23] =	ssyncadd.s32 s4;
	_ =	sdelay $0x1  }
0x19: {  	s24 =	simm.s32 $0x1B8B  }
0x1a: {  	_ =	swait.ge [sflag:s24], $0x1  }
0x1b: {  	[sflag:s24] =	ssyncset.done $0x0  }
0x1c: {  	s26 =	simm.s32 $0x1B8E;
	s25 =	sld [smem:$0x3FFE];
	[sflag:s24] =	ssyncadd.s32 $0xFFFFFFFF  }
0x1d: {  	s27 =	simm.s32 $execute0_lowered;
	[smem:$0x3FD2] =	sst s26  }
0x1e: {  	s5 =	sshll.u32 s27, $0x1;
	_ =	strace $0x80000049;
	[dreg:$0x1] =	wrdreg $0xFFFFFFFF  }
0x1f: {  	s28 =	simm.s32 $_size_execute0_lowered;
	s3 =	sadd.s32 s3, s5;
	[dreg:$0x0] =	wrdreg $0x0  }
0x20: {  	s5 =	sshll.u32 s28, $0x1;
	[dreg:$0x2] =	wrdreg s3  }
0x21: {  	[dreg:$0x3] =	wrdreg s5  }
0x22: {  	[dreg:$0x4] =	wrdreg $0xC0  }
0x23: {  	_ =	task [dreg:s7], $0x5FFFF  }
0x24: {  	[dreg:$0x1] =	wrdreg $0xFFFFFFFF  }
0x25: {  	[dreg:$0x0] =	wrdreg $0x60  }
0x26: {  	[dreg:$0x2] =	wrdreg s25  }
0x27: {  	[dreg:$0x3] =	wrdreg s2  }
0x28: {  	[dreg:$0x4] =	wrdreg $0x9  }
0x29: {  	_ =	task.clear_ibuf [dreg:s7], $0x5FFFF;
	_ =	strace $0x90000049  }
0x2a: {  	s29 =	simm.s32 $0x9;
	_ =	strace $0x8000004B  }
0x2b: {  	_ =	swait.ge [sflag:s29], $0x1  }
0x2c: {  	[sflag:s29] =	ssyncadd.s32 $0xFFFFFFFF  }
0x2d: {  	_ =	strace $0x9000004B  }
0x2e: {  	_ =	sfence  }
0x2f: {  	s30 =	sld [smem:$0x0];
	_ =	sdelay $0x2  }
0x30: {  	s31 =	sshll.u32 s1, $0xD;
	s1 =	sshrl.u32 s1, $0x2  }
0x31: {  	s3 =	sand.u32 $0x4000, s31;
	s1 =	sadd.s32 s1, s30  }
0x32: {  	s0 =	sor.u32 s3, s0;
	s1 =	sshll.u32 s1, $0x11  }
0x33: {  	s0 =	sor.u32 s1, s0  }
0x34: {  	s0 =	sadd.s32 $0x8F2B, s0  }
0x35: {  	[sflag:s0] =	ssyncadd.remote.s32 $0x1  }
0x36: {  	_ =	sfence.sel $0xFFFF  }
0x37: {  	[dreg:$0x0] =	wrdreg $0xFFFFFFFF;
	(pc) =	sbr.abs _section_cstart, $3  }
0x38: {  	[dreg:$0x1] =	wrdreg $0xFFFFFFFF  }
0x39: {  	_ =	task.clear_ibuf [dreg:s7], $0x2FFFF;
	_ =	strace $0x9FFFFFFF  }
0x3a: {  	(tm) =	ssettm $0x7FFFFFFF  }
0x3b: {  	_ =	shalt  }
tec
execute0_lowered:
.L_overlay_start_1:
0x0: {  	(tag) =	ssettag $0x1  }
0x1: {  	s0 =	srdreg.scid  }
0x2: {  	s1 =	sshll.u32 s0, $0x4  }
0x3: {  	s0 =	stileid.u32;
	s1 =	sand.u32 $0x10, s1  }
0x4: {  	s1 =	sor.u32 s0, s1  }
0x5: {  	s6 =	rddreg [dreg:$0x0];
	s4 =	simm.s32 $0x1;
	s2 =	sshll.u32 s1, $0x7  }
0x6: {  	s7 =	simm.s32 $0x2;
	s12 =	simm.s32 $0x0;
	s1 =	ssub.s32 $0x1000, s2  }
0x7: {  	s8 =	simm.s32 $0x8000;
	s13 =	simm.s32 $0x0;
	s3 =	sand.u32 $0xF80, s1  }
0x8: {  	s9 =	simm.s32 $0x0;
	s5 =	sshrl.u32 s1, $0xC;
	p0 =	sne.s32 s3, $0x0  }
.Ltmp0:
0x9: {  	s1 =	rddreg [dreg:$0x2];
	s4 =	simm.s32 @!p0 $0x0;
	(pc) =	sbr.rel .LBB1_1-.Ltmp0, $4  }
0xa: {  	s11 =	simm.s32 $0x0;
	s3 =	rddreg [dreg:$0x1];
	s5 =	sadd.s32 s4, s5  }
0xb: {  	_ =	strace $0x8000004A;
	s4 =	simm.s32 $0x1;
	s5 =	smul.u32 $0xC8, s5  }
0xc: {  	s6 =	sadd.s32 $0xA00, s6;
	s10 =	smov.u32 s2;
	[sflag:s4] =	ssyncpa.u1 $0x0  }
0xd: {  	p0 =	por $0x0, $0x0;
	[sflag:s7] =	ssyncpa.u1 $0x0;
	s7 =	sor.u32 $0x1, s5  }
.LBB1_4:
0xe: {  	s16 =	sshll.u32 s13, $0x3;
	s17 =	sand.u32 $0x78, s13  }
0xf: {  	s30 =	sand.u32 $0x7E00, s13;
	s12 =	sshll.u32 s12, $0xF;
	s16 =	sand.u32 $0xC00, s16  }
0x10: {  	[tilespmem:s15+$0x810 ss:$0x81] =	vst.msk $0xffff, v2;
	s31 =	sand.u32 $0x7, s13;
	s16 =	sor.u32 s17, s16;
	s17 =	sadd.s32 s3, s30  }
0x11: {  	[tilespmem:s15+$0x1020 ss:$0x81] =	vst.msk $0xffff, v0;
	s13 =	sshll.u32 s31, $0x12;
	s12 =	sadd.s32 s12, s17;
	s16 =	sshrl.u32 s16, $0x3  }
0x12: {  	[tilespmem:s15+$0x0 ss:$0x81] =	vst.msk $0xffff, v1;
	s13 =	sor.u32 $0x400, s13;
	s12 =	sadd.s32 s16, s12  }
0x13: {  	[hbm4b:s12+s13] =	stream.strided.scatter [tilespmem:s14], [sflag:$0x2], $0x2000, s8, s13, $0x20;
	[tilespmem:$0x8080] =	vst v63  }
.LBB1_5:
0x14: {  	s14 =	sadd.s32 $0x1, s9  }
0x15: {  	s12 =	sadd.s32 $0x1000, s10;
	s16 =	smov.u32 s10;
	p2 =	sgt.s32 s14, $0xC7  }
0x16: {  	s16 =	smov.u32 @p2 s12  }
0x17: {  	s14 =	simm.s32 @p2 $0x0;
	p2 =	sgt.s32 s16, $0xFFF  }
0x18: {  	s16 =	smov.u32 @p2 s2;
	p2 =	sne.s32 s11, s7  }
.Ltmp1:
0x19: {  	p1 =	slt.u32 s11, $0x2;
	(pc) =	sbr.rel @!p2 .LBB1_6-.Ltmp1, $4  }
0x1a: {  	s15 =	simm.s32 @!p1 $0x2  }
0x1b: {  	s13 =	smov.u32 s10;
	p0 =	por !p0, !p0;
	_ =	swait.ge @!p1 [sflag:s15], $0x2000  }
0x1c: {  	s12 =	smov.u32 s9;
	[sflag:s15] =	ssyncset.done @!p1 $0x0;
	s9 =	smov.u32 s14  }
0x1d: {  	s11 =	sadd.s32 $0x1, s11;
	[sflag:s15] =	ssyncadd.s32 @!p1 $0xFFFFE000;
	s10 =	smov.u32 s16  }
.LBB1_1:
0x1e: {  	p1 =	sge.u32 s11, s5  }
0x1f: {  	s14 =	sand.u32 @!p1 $0x1FFFFFF, s9  }
0x20: {  	s15 =	smulhi.u32 @!p1 $0x147AE15, s14;
	_ =	sdelay $0x1  }
0x21: {  	s15 =	smul.u32 @!p1 $0xC8, s15  }
0x22: {  	s16 =	sxor.u32 @!p1 $0xFFFFFFFF, s11;
	s17 =	smul.u32 @!p1 $0xC80, s10  }
0x23: {  	s31 =	sadd.s32 $0xFFFFFFFF, s11;
	s16 =	sshll.u32 @!p1 s16, $0xD;
	s14 =	ssub.s32 @!p1 s14, s15  }
0x24: {  	s15 =	sand.u32 @!p1 $0x2000, s16;
	s16 =	sadd.s32 @!p1 s6, s17;
	s14 =	sshll.u32 @!p1 s14, $0x4  }
0x25: {  	s17 =	simm.s32 @!p1 $0x6400;
	s14 =	sadd.s32 @!p1 s14, s16;
	s16 =	simm.s32 @!p1 $0x40  }
0x26: {  	[tilespmem:s15], [sflag:$0x1] =	stream.strided.gather @!p1 [hbm4b:s14+s16], $0x2000, s17, s16, $0x38;
	[tilespmem:$0x8080] =	vst v63  }
0x27: {  	p1 =	sge.u32 s31, s5  }
.Ltmp2:
0x28: {  	_ = 	snop;
	(pc) =	sbr.rel @p1 .LBB1_5-.Ltmp2, $1  }
0x29: {  	_ =	sdelay $0x3  }
0x2a: {  	s14 =	simm.s32 $0x1  }
0x2b: {  	_ =	swait.ge [sflag:s4], $0x2000;
	s14 =	simm.s32 @!p0 $0x0  }
0x2c: {  	[sflag:s4] =	ssyncset.done $0x0;
	s15 =	sshll.u32 s14, $0xD  }
0x2d: {  	[sflag:s4] =	ssyncadd.s32 $0xFFFFE000;
	s18 =	sor.u32 $0x20, s15  }
0x2e: {  	s14 =	smul.u32 $0x8100, s14;
	v3 =	vld [tilespmem:s18+$0x10]  }
0x2f: {  	s30 =	sand.u32 $0x1, s11;
	v2 =	vld [tilespmem:s18+$0xFFFFFFF0]  }
0x30: {  	s15 =	smul.u32 $0x8100, s30;
	s14 =	sshrl.u32 s14, $0x2;
	v0 =	vld [tilespmem:s18+$0x0]  }
0x31: {  	v1 =	vld [tilespmem:s18+$0xFFFFFFE0];
	s16 =	sor.u32 $0x4000, s14  }
0x32: {  	s31 =	sshrl.u32 s15, $0x2;
	s15 =	sadd.s32 $0x0, s16  }
0x33: {  	s17 =	simm.s32 $0x4;
	s18 =	sadd.s32 $0x40, s18;
	s14 =	sor.u32 $0x4000, s31;
	[tilespmem:s15+$0x1830 ss:$0x81] =	vst.msk $0xffff, v3  }
.LBB1_3:
0x34: {  	v3 =	vld [tilespmem:s18+$0x10];
	p1 =	sne.s32 s17, $0x1FC;
	[tilespmem:s15+$0x810 ss:$0x81] =	vst.msk $0xffff, v2;
	s19 =	smov.u32 s17;
	s17 =	sadd.s32 $0x4, s17  }
.Ltmp3:
0x35: {  	v2 =	vld [tilespmem:s18+$0xFFFFFFF0];
	[tilespmem:s15+$0x1020 ss:$0x81] =	vst.msk $0xffff, v0;
	(pc) =	sbr.rel @p1 .LBB1_3-.Ltmp3, $4  }
0x36: {  	v0 =	vld [tilespmem:s18+$0x0];
	[tilespmem:s15+$0x0 ss:$0x81] =	vst.msk $0xffff, v1  }
0x37: {  	s15 =	sshra.s32 s19, $0x2;
	v1 =	vld [tilespmem:s18+$0xFFFFFFE0]  }
0x38: {  	s15 =	sadd.s32 s15, s16  }
0x39: {  	s18 =	sadd.s32 $0x40, s18;
	[tilespmem:s15+$0x1830 ss:$0x81] =	vst.msk $0xffff, v3  }
.Ltmp4:
0x3a: {  	_ = 	snop;
	(pc) =	sbr.rel .LBB1_4-.Ltmp4, $1  }
0x3b: {  	_ =	sdelay $0x3  }
.LBB1_6:
0x3c: {  	_ =	sfence.sel $0x180000  }
0x3d: {  	s2 =	simm.s32 $0x1;
	[bflag:$0x0] =	sbarrier.arrive $0xFFFF  }
0x3e: {  	s31 =	simm.s32 $0x2;
	[sflag:s2] =	ssyncpa.u1 $0x1  }
0x3f: {  	[sflag:s31] =	ssyncpa.u1 $0x1  }
0x40: {  	p0 =	sne.s32 s0, $0x0;
	_ =	strace $0x9000004A  }
0x41: {  	s0 =	sadd.s32 @!p0 $0x100000, s1;
	[bflag:$0x2] =	sbarrier.arrive $0xFFFF  }
0x42: {  	[sflag:s0] =	ssyncadd.tile.s32 @!p0 $0x1;
	_ =	shalt  }
.Lfunc_end1:
_tile_overlayer_lowered:
.L_overlay_start_2:
0x43: {  	(tag) =	ssettag $0x2  }
0x44: {  	s0 =	rddreg [dreg:$0x0];
	s2 =	stileid.u32  }
0x45: {  	s1 =	rddreg [dreg:$0x1];
	p0 =	sne.s32 s2, $0x0  }
0x46: {  	s3 =	rddreg [dreg:$0x2];
	[bflag:$0x3] =	sbarrier.arrive $0xFFFF;
	s2 =	simm.s32 @!p0 $0x1C01  }
0x47: {  	[timem:s3], [sflag:s2] =	dma.local @!p0 [hbm:s0], s1  }
0x48: {  	s0 =	simm.s32 @!p0 $0x1  }
0x49: {  	_ =	swait.ge @!p0 [sflag:s0], s1  }
0x4a: {  	s1 =	ssub.s32 @!p0 $0x0, s1;
	[sflag:s0] =	ssyncset.done @!p0 $0x0  }
0x4b: {  	[sflag:s0] =	ssyncadd.s32 @!p0 s1  }
0x4c: {  	[bflag:$0x3] =	sbarrier.arrive $0xFFFF  }
0x4d: {  	_ =	shalt  }

</sc_bundles>
